<compile_context>
chip_gen: v7x
topology: tpu7x:2x2x1
jax: 0.10.2.dev20260603
libtpu: 0.0.44.dev20260713+nightly
codegen_flags: <defaults>
</compile_context>

<pallas_src>
import jax
import jax.numpy as jnp
from jax.experimental import pallas as pl
from jax.experimental.pallas import tpu as pltpu

B, N, K = 128, 32768, 10
LANE = 128
GRP = 8 * LANE
NGRP = N * K // GRP
RPB = 8
NEG = float('-inf')


def _topk_body(x_ref, tgt_ref, zout_ref, zs_ref, s_ref, sem):
    step = pl.program_id(0)

    @pl.when(step == 0)
    def _():
        zs_ref[...] = jnp.zeros_like(zs_ref)

    copies = [
        pltpu.make_async_copy(zs_ref, zout_ref.at[step * RPB + r], sem)
        for r in range(RPB)
    ]
    for c in copies:
        c.start()

    li = jax.lax.broadcasted_iota(jnp.int32, (RPB, N), 1)
    s_ref[...] = x_ref[...]
    idxs = []
    for _ in range(K):
        s = s_ref[...]
        v = jnp.max(s, axis=1, keepdims=True)
        i = jnp.min(jnp.where(s == v, li, N), axis=1, keepdims=True)
        idxs.append(i)
        s_ref[...] = jnp.where(li == i, NEG, s)
    cols = []
    for k in range(K):
        rank = jnp.zeros((RPB, 1), jnp.int32)
        for m in range(K):
            if m != k:
                rank = rank + (idxs[m] < idxs[k]).astype(jnp.int32)
        cols.append(idxs[k] * K + rank)
    tgt_ref[...] = jnp.concatenate(cols + cols[-1:] * (16 - K), axis=1)

    for c in copies:
        c.wait()


def _patch_body(tref, x_any, out_ref):
    b = pl.program_id(0)
    j = pl.program_id(1)
    g = tref[b, j] // GRP
    sub = jax.lax.broadcasted_iota(jnp.int32, (1, 1, 8, LANE), 2)
    lane = jax.lax.broadcasted_iota(jnp.int32, (1, 1, 8, LANE), 3)
    acc = jnp.zeros((1, 1, 8, LANE), jnp.float32)
    for m in range(K):
        t = tref[b, m]
        tg = t // GRP
        q = t - tg * GRP
        qr = q // LANE
        qc = q - qr * LANE
        acc = acc + ((tg == g) & (sub == qr) & (lane == qc)).astype(jnp.float32)
    out_ref[...] = acc


def kernel(x):
    tgt, zbuf = pl.pallas_call(
        _topk_body,
        grid=(B // RPB,),
        in_specs=[pl.BlockSpec((RPB, N), lambda i: (i, 0))],
        out_specs=[
            pl.BlockSpec((RPB, 16), lambda i: (i, 0)),
            pl.BlockSpec(memory_space=pl.ANY),
        ],
        out_shape=[
            jax.ShapeDtypeStruct((B, 16), jnp.int32),
            jax.ShapeDtypeStruct((B, NGRP, 8, LANE), jnp.float32),
        ],
        scratch_shapes=[
            pltpu.VMEM((NGRP, 8, LANE), jnp.float32),
            pltpu.VMEM((RPB, N), jnp.float32),
            pltpu.SemaphoreType.DMA,
        ],
    )(x)

    out = pl.pallas_call(
        _patch_body,
        grid_spec=pltpu.PrefetchScalarGridSpec(
            num_scalar_prefetch=1,
            grid=(B, K),
            in_specs=[pl.BlockSpec(memory_space=pl.ANY)],
            out_specs=pl.BlockSpec(
                (1, 1, 8, LANE),
                lambda b, j, tref: (b, tref[b, j] // GRP, 0, 0),
            ),
        ),
        out_shape=jax.ShapeDtypeStruct((B, NGRP, 8, LANE), jnp.float32),
        input_output_aliases={1: 0},
    )(tgt, zbuf)
    return out.reshape(B, N, K)

# --- scband reference (transcript-rebuilt; emitter-appended) ---
"""Pipeline reference for scband-rstrm-70300024701416 (READ-ONLY COPY).

The authoritative reference and input builder live on the scoring server;
editing this copy changes nothing except your own understanding.
"""

import jax, jax.numpy as jnp
import numpy as np


def setup_inputs(seed: int = 0) -> dict:
    key = jax.random.key(seed)
    x = jax.random.normal(key, (128, 32768), dtype=jnp.float32)
    return {"x": x}


def reference(x):
    # Faithful translation of order_topk(x, k=10):
    #   if len(x.shape) > 2: x = x[:, :, 0]
    #   F.one_hot(torch.sort(torch.topk(x, k=10, dim=-1)[-1])[0], N).transpose(-1, -2).float()
    if x.ndim > 2:
        x = x[:, :, 0]
    n = x.shape[-1]
    _vals, idx = jax.lax.top_k(x, 10)          # [B, 10] indices of top-10 scores
    idx = jnp.sort(idx, axis=-1)               # sort indices ascending
    onehot = jax.nn.one_hot(idx, n, dtype=jnp.float32)  # [B, 10, N]
    mask = jnp.swapaxes(onehot, -1, -2)        # [B, N, 10]
    return mask

if __name__ == "__main__":
    import jax
    _d = setup_inputs()
    print(jax.jit(kernel)(*tuple(_d.values())))

</pallas_src>

<mosaic_0001>
module attributes {stable_mosaic.version = 14 : i64} {
  func.func @_patch_body(%arg0: i32, %arg1: i32, %arg2: memref<128x16xi32, #tpu.memory_space<smem>>, %arg3: memref<128x320x8x128xf32, #tpu.memory_space<any>>, %arg4: memref<1x1x8x128xf32, #tpu.memory_space<vmem>>) attributes {dimension_semantics = [#tpu.dimension_semantics<arbitrary>, #tpu.dimension_semantics<arbitrary>], iteration_bounds = array<i64: 128, 10>, scalar_prefetch = 1 : i64, scratch_operands = 0 : i64, tpu.core_type = #tpu.core_type<tc>, window_params = [{}, {transform_indices = @transform_1, window_bounds = array<i64: 1, 1, 8, 128>}]} {
    %get3A = arith.index_cast %arg0 : i32 to index
    %get3A_0 = arith.index_cast %arg1 : i32 to index
    %get3A_1 = memref.load %arg2[%get3A, %get3A_0] : memref<128x16xi32, #tpu.memory_space<smem>>
    %jit3A = arith.constant 1024 : i32
    %div3A = arith.divsi %get3A_1, %jit3A : i32
    %sign3A = arith.constant 0 : i32
    %sign3A_2 = arith.cmpi sgt, %get3A_1, %sign3A : i32
    %sign3A_3 = arith.extui %sign3A_2 : i1 to i32
    %sign3A_4 = arith.constant 0 : i32
    %sign3A_5 = arith.cmpi slt, %get3A_1, %sign3A_4 : i32
    %sign3A_6 = arith.extui %sign3A_5 : i1 to i32
    %sign3A_7 = arith.subi %sign3A_3, %sign3A_6 : i32
    %sign3A_8 = arith.constant 0 : i32
    %sign3A_9 = arith.cmpi sgt, %jit3A, %sign3A_8 : i32
    %sign3A_10 = arith.extui %sign3A_9 : i1 to i32
    %sign3A_11 = arith.constant 0 : i32
    %sign3A_12 = arith.cmpi slt, %jit3A, %sign3A_11 : i32
    %sign3A_13 = arith.extui %sign3A_12 : i1 to i32
    %sign3A_14 = arith.subi %sign3A_10, %sign3A_13 : i32
    %ne3A = arith.cmpi ne, %sign3A_7, %sign3A_14 : i32
    %rem3A = arith.remsi %get3A_1, %jit3A : i32
    %ne3A_15 = arith.constant 0 : i32
    %ne3A_16 = arith.cmpi ne, %rem3A, %ne3A_15 : i32
    %and3A = arith.andi %ne3A, %ne3A_16 : i1
    %sub3A = arith.constant 1 : i32
    %sub3A_17 = arith.subi %div3A, %sub3A : i32
    %select_n3A = arith.select %and3A, %sub3A_17, %div3A : i32
    %iota3A = tpu.iota {dimensions = array<i32: 2>} : vector<1x1x8x128xi32>
    %iota3A_18 = tpu.iota {dimensions = array<i32: 3>} : vector<1x1x8x128xi32>
    %broadcast_in_dim3A = arith.constant 0.000000e+00 : f32
    %broadcast_in_dim3A_19 = vector.broadcast %broadcast_in_dim3A : f32 to vector<1x1x8x128xf32>
    %get3A_20 = arith.index_cast %arg0 : i32 to index
    %get3A_21 = arith.constant 0 : index
    %get3A_22 = memref.load %arg2[%get3A_20, %get3A_21] : memref<128x16xi32, #tpu.memory_space<smem>>
    %jit3A_23 = arith.constant 1024 : i32
    %div3A_24 = arith.divsi %get3A_22, %jit3A_23 : i32
    %sign3A_25 = arith.constant 0 : i32
    %sign3A_26 = arith.cmpi sgt, %get3A_22, %sign3A_25 : i32
    %sign3A_27 = arith.extui %sign3A_26 : i1 to i32
    %sign3A_28 = arith.constant 0 : i32
    %sign3A_29 = arith.cmpi slt, %get3A_22, %sign3A_28 : i32
    %sign3A_30 = arith.extui %sign3A_29 : i1 to i32
    %sign3A_31 = arith.subi %sign3A_27, %sign3A_30 : i32
    %sign3A_32 = arith.constant 0 : i32
    %sign3A_33 = arith.cmpi sgt, %jit3A_23, %sign3A_32 : i32
    %sign3A_34 = arith.extui %sign3A_33 : i1 to i32
    %sign3A_35 = arith.constant 0 : i32
    %sign3A_36 = arith.cmpi slt, %jit3A_23, %sign3A_35 : i32
    %sign3A_37 = arith.extui %sign3A_36 : i1 to i32
    %sign3A_38 = arith.subi %sign3A_34, %sign3A_37 : i32
    %ne3A_39 = arith.cmpi ne, %sign3A_31, %sign3A_38 : i32
    %rem3A_40 = arith.remsi %get3A_22, %jit3A_23 : i32
    %ne3A_41 = arith.constant 0 : i32
    %ne3A_42 = arith.cmpi ne, %rem3A_40, %ne3A_41 : i32
    %and3A_43 = arith.andi %ne3A_39, %ne3A_42 : i1
    %sub3A_44 = arith.constant 1 : i32
    %sub3A_45 = arith.subi %div3A_24, %sub3A_44 : i32
    %select_n3A_46 = arith.select %and3A_43, %sub3A_45, %div3A_24 : i32
    %mul3A = arith.constant 1024 : i32
    %mul3A_47 = arith.muli %select_n3A_46, %mul3A : i32
    %sub3A_48 = arith.subi %get3A_22, %mul3A_47 : i32
    %jit3A_49 = arith.constant 128 : i32
    %div3A_50 = arith.divsi %sub3A_48, %jit3A_49 : i32
    %sign3A_51 = arith.constant 0 : i32
    %sign3A_52 = arith.cmpi sgt, %sub3A_48, %sign3A_51 : i32
    %sign3A_53 = arith.extui %sign3A_52 : i1 to i32
    %sign3A_54 = arith.constant 0 : i32
    %sign3A_55 = arith.cmpi slt, %sub3A_48, %sign3A_54 : i32
    %sign3A_56 = arith.extui %sign3A_55 : i1 to i32
    %sign3A_57 = arith.subi %sign3A_53, %sign3A_56 : i32
    %sign3A_58 = arith.constant 0 : i32
    %sign3A_59 = arith.cmpi sgt, %jit3A_49, %sign3A_58 : i32
    %sign3A_60 = arith.extui %sign3A_59 : i1 to i32
    %sign3A_61 = arith.constant 0 : i32
    %sign3A_62 = arith.cmpi slt, %jit3A_49, %sign3A_61 : i32
    %sign3A_63 = arith.extui %sign3A_62 : i1 to i32
    %sign3A_64 = arith.subi %sign3A_60, %sign3A_63 : i32
    %ne3A_65 = arith.cmpi ne, %sign3A_57, %sign3A_64 : i32
    %rem3A_66 = arith.remsi %sub3A_48, %jit3A_49 : i32
    %ne3A_67 = arith.constant 0 : i32
    %ne3A_68 = arith.cmpi ne, %rem3A_66, %ne3A_67 : i32
    %and3A_69 = arith.andi %ne3A_65, %ne3A_68 : i1
    %sub3A_70 = arith.constant 1 : i32
    %sub3A_71 = arith.subi %div3A_50, %sub3A_70 : i32
    %select_n3A_72 = arith.select %and3A_69, %sub3A_71, %div3A_50 : i32
    %mul3A_73 = arith.constant 128 : i32
    %mul3A_74 = arith.muli %select_n3A_72, %mul3A_73 : i32
    %sub3A_75 = arith.subi %sub3A_48, %mul3A_74 : i32
    %eq3A = arith.cmpi eq, %select_n3A_46, %select_n3A : i32
    %eq3A_76 = vector.broadcast %select_n3A_72 : i32 to vector<1x1x8x128xi32>
    %eq3A_77 = arith.cmpi eq, %iota3A, %eq3A_76 : vector<1x1x8x128xi32>
    %and3A_78 = vector.broadcast %eq3A : i1 to vector<1x1x8x128xi1>
    %and3A_79 = arith.andi %and3A_78, %eq3A_77 : vector<1x1x8x128xi1>
    %eq3A_80 = vector.broadcast %sub3A_75 : i32 to vector<1x1x8x128xi32>
    %eq3A_81 = arith.cmpi eq, %iota3A_18, %eq3A_80 : vector<1x1x8x128xi32>
    %and3A_82 = arith.andi %and3A_79, %eq3A_81 : vector<1x1x8x128xi1>
    %convert_element_type3A = arith.extui %and3A_82 : vector<1x1x8x128xi1> to vector<1x1x8x128xi32>
    %convert_element_type3A_83 = arith.sitofp %convert_element_type3A : vector<1x1x8x128xi32> to vector<1x1x8x128xf32>
    %add3A = arith.addf %broadcast_in_dim3A_19, %convert_element_type3A_83 : vector<1x1x8x128xf32>
    %get3A_84 = arith.index_cast %arg0 : i32 to index
    %get3A_85 = arith.constant 1 : index
    %get3A_86 = memref.load %arg2[%get3A_84, %get3A_85] : memref<128x16xi32, #tpu.memory_space<smem>>
    %jit3A_87 = arith.constant 1024 : i32
    %div3A_88 = arith.divsi %get3A_86, %jit3A_87 : i32
    %sign3A_89 = arith.constant 0 : i32
    %sign3A_90 = arith.cmpi sgt, %get3A_86, %sign3A_89 : i32
    %sign3A_91 = arith.extui %sign3A_90 : i1 to i32
    %sign3A_92 = arith.constant 0 : i32
    %sign3A_93 = arith.cmpi slt, %get3A_86, %sign3A_92 : i32
    %sign3A_94 = arith.extui %sign3A_93 : i1 to i32
    %sign3A_95 = arith.subi %sign3A_91, %sign3A_94 : i32
    %sign3A_96 = arith.constant 0 : i32
    %sign3A_97 = arith.cmpi sgt, %jit3A_87, %sign3A_96 : i32
    %sign3A_98 = arith.extui %sign3A_97 : i1 to i32
    %sign3A_99 = arith.constant 0 : i32
    %sign3A_100 = arith.cmpi slt, %jit3A_87, %sign3A_99 : i32
    %sign3A_101 = arith.extui %sign3A_100 : i1 to i32
    %sign3A_102 = arith.subi %sign3A_98, %sign3A_101 : i32
    %ne3A_103 = arith.cmpi ne, %sign3A_95, %sign3A_102 : i32
    %rem3A_104 = arith.remsi %get3A_86, %jit3A_87 : i32
    %ne3A_105 = arith.constant 0 : i32
    %ne3A_106 = arith.cmpi ne, %rem3A_104, %ne3A_105 : i32
    %and3A_107 = arith.andi %ne3A_103, %ne3A_106 : i1
    %sub3A_108 = arith.constant 1 : i32
    %sub3A_109 = arith.subi %div3A_88, %sub3A_108 : i32
    %select_n3A_110 = arith.select %and3A_107, %sub3A_109, %div3A_88 : i32
    %mul3A_111 = arith.constant 1024 : i32
    %mul3A_112 = arith.muli %select_n3A_110, %mul3A_111 : i32
    %sub3A_113 = arith.subi %get3A_86, %mul3A_112 : i32
    %jit3A_114 = arith.constant 128 : i32
    %div3A_115 = arith.divsi %sub3A_113, %jit3A_114 : i32
    %sign3A_116 = arith.constant 0 : i32
    %sign3A_117 = arith.cmpi sgt, %sub3A_113, %sign3A_116 : i32
    %sign3A_118 = arith.extui %sign3A_117 : i1 to i32
    %sign3A_119 = arith.constant 0 : i32
    %sign3A_120 = arith.cmpi slt, %sub3A_113, %sign3A_119 : i32
    %sign3A_121 = arith.extui %sign3A_120 : i1 to i32
    %sign3A_122 = arith.subi %sign3A_118, %sign3A_121 : i32
    %sign3A_123 = arith.constant 0 : i32
    %sign3A_124 = arith.cmpi sgt, %jit3A_114, %sign3A_123 : i32
    %sign3A_125 = arith.extui %sign3A_124 : i1 to i32
    %sign3A_126 = arith.constant 0 : i32
    %sign3A_127 = arith.cmpi slt, %jit3A_114, %sign3A_126 : i32
    %sign3A_128 = arith.extui %sign3A_127 : i1 to i32
    %sign3A_129 = arith.subi %sign3A_125, %sign3A_128 : i32
    %ne3A_130 = arith.cmpi ne, %sign3A_122, %sign3A_129 : i32
    %rem3A_131 = arith.remsi %sub3A_113, %jit3A_114 : i32
    %ne3A_132 = arith.constant 0 : i32
    %ne3A_133 = arith.cmpi ne, %rem3A_131, %ne3A_132 : i32
    %and3A_134 = arith.andi %ne3A_130, %ne3A_133 : i1
    %sub3A_135 = arith.constant 1 : i32
    %sub3A_136 = arith.subi %div3A_115, %sub3A_135 : i32
    %select_n3A_137 = arith.select %and3A_134, %sub3A_136, %div3A_115 : i32
    %mul3A_138 = arith.constant 128 : i32
    %mul3A_139 = arith.muli %select_n3A_137, %mul3A_138 : i32
    %sub3A_140 = arith.subi %sub3A_113, %mul3A_139 : i32
    %eq3A_141 = arith.cmpi eq, %select_n3A_110, %select_n3A : i32
    %eq3A_142 = vector.broadcast %select_n3A_137 : i32 to vector<1x1x8x128xi32>
    %eq3A_143 = arith.cmpi eq, %iota3A, %eq3A_142 : vector<1x1x8x128xi32>
    %and3A_144 = vector.broadcast %eq3A_141 : i1 to vector<1x1x8x128xi1>
    %and3A_145 = arith.andi %and3A_144, %eq3A_143 : vector<1x1x8x128xi1>
    %eq3A_146 = vector.broadcast %sub3A_140 : i32 to vector<1x1x8x128xi32>
    %eq3A_147 = arith.cmpi eq, %iota3A_18, %eq3A_146 : vector<1x1x8x128xi32>
    %and3A_148 = arith.andi %and3A_145, %eq3A_147 : vector<1x1x8x128xi1>
    %convert_element_type3A_149 = arith.extui %and3A_148 : vector<1x1x8x128xi1> to vector<1x1x8x128xi32>
    %convert_element_type3A_150 = arith.sitofp %convert_element_type3A_149 : vector<1x1x8x128xi32> to vector<1x1x8x128xf32>
    %add3A_151 = arith.addf %add3A, %convert_element_type3A_150 : vector<1x1x8x128xf32>
    %get3A_152 = arith.index_cast %arg0 : i32 to index
    %get3A_153 = arith.constant 2 : index
    %get3A_154 = memref.load %arg2[%get3A_152, %get3A_153] : memref<128x16xi32, #tpu.memory_space<smem>>
    %jit3A_155 = arith.constant 1024 : i32
    %div3A_156 = arith.divsi %get3A_154, %jit3A_155 : i32
    %sign3A_157 = arith.constant 0 : i32
    %sign3A_158 = arith.cmpi sgt, %get3A_154, %sign3A_157 : i32
    %sign3A_159 = arith.extui %sign3A_158 : i1 to i32
    %sign3A_160 = arith.constant 0 : i32
    %sign3A_161 = arith.cmpi slt, %get3A_154, %sign3A_160 : i32
    %sign3A_162 = arith.extui %sign3A_161 : i1 to i32
    %sign3A_163 = arith.subi %sign3A_159, %sign3A_162 : i32
    %sign3A_164 = arith.constant 0 : i32
    %sign3A_165 = arith.cmpi sgt, %jit3A_155, %sign3A_164 : i32
    %sign3A_166 = arith.extui %sign3A_165 : i1 to i32
    %sign3A_167 = arith.constant 0 : i32
    %sign3A_168 = arith.cmpi slt, %jit3A_155, %sign3A_167 : i32
    %sign3A_169 = arith.extui %sign3A_168 : i1 to i32
    %sign3A_170 = arith.subi %sign3A_166, %sign3A_169 : i32
    %ne3A_171 = arith.cmpi ne, %sign3A_163, %sign3A_170 : i32
    %rem3A_172 = arith.remsi %get3A_154, %jit3A_155 : i32
    %ne3A_173 = arith.constant 0 : i32
    %ne3A_174 = arith.cmpi ne, %rem3A_172, %ne3A_173 : i32
    %and3A_175 = arith.andi %ne3A_171, %ne3A_174 : i1
    %sub3A_176 = arith.constant 1 : i32
    %sub3A_177 = arith.subi %div3A_156, %sub3A_176 : i32
    %select_n3A_178 = arith.select %and3A_175, %sub3A_177, %div3A_156 : i32
    %mul3A_179 = arith.constant 1024 : i32
    %mul3A_180 = arith.muli %select_n3A_178, %mul3A_179 : i32
    %sub3A_181 = arith.subi %get3A_154, %mul3A_180 : i32
    %jit3A_182 = arith.constant 128 : i32
    %div3A_183 = arith.divsi %sub3A_181, %jit3A_182 : i32
    %sign3A_184 = arith.constant 0 : i32
    %sign3A_185 = arith.cmpi sgt, %sub3A_181, %sign3A_184 : i32
    %sign3A_186 = arith.extui %sign3A_185 : i1 to i32
    %sign3A_187 = arith.constant 0 : i32
    %sign3A_188 = arith.cmpi slt, %sub3A_181, %sign3A_187 : i32
    %sign3A_189 = arith.extui %sign3A_188 : i1 to i32
    %sign3A_190 = arith.subi %sign3A_186, %sign3A_189 : i32
    %sign3A_191 = arith.constant 0 : i32
    %sign3A_192 = arith.cmpi sgt, %jit3A_182, %sign3A_191 : i32
    %sign3A_193 = arith.extui %sign3A_192 : i1 to i32
    %sign3A_194 = arith.constant 0 : i32
    %sign3A_195 = arith.cmpi slt, %jit3A_182, %sign3A_194 : i32
    %sign3A_196 = arith.extui %sign3A_195 : i1 to i32
    %sign3A_197 = arith.subi %sign3A_193, %sign3A_196 : i32
    %ne3A_198 = arith.cmpi ne, %sign3A_190, %sign3A_197 : i32
    %rem3A_199 = arith.remsi %sub3A_181, %jit3A_182 : i32
    %ne3A_200 = arith.constant 0 : i32
    %ne3A_201 = arith.cmpi ne, %rem3A_199, %ne3A_200 : i32
    %and3A_202 = arith.andi %ne3A_198, %ne3A_201 : i1
    %sub3A_203 = arith.constant 1 : i32
    %sub3A_204 = arith.subi %div3A_183, %sub3A_203 : i32
    %select_n3A_205 = arith.select %and3A_202, %sub3A_204, %div3A_183 : i32
    %mul3A_206 = arith.constant 128 : i32
    %mul3A_207 = arith.muli %select_n3A_205, %mul3A_206 : i32
    %sub3A_208 = arith.subi %sub3A_181, %mul3A_207 : i32
    %eq3A_209 = arith.cmpi eq, %select_n3A_178, %select_n3A : i32
    %eq3A_210 = vector.broadcast %select_n3A_205 : i32 to vector<1x1x8x128xi32>
    %eq3A_211 = arith.cmpi eq, %iota3A, %eq3A_210 : vector<1x1x8x128xi32>
    %and3A_212 = vector.broadcast %eq3A_209 : i1 to vector<1x1x8x128xi1>
    %and3A_213 = arith.andi %and3A_212, %eq3A_211 : vector<1x1x8x128xi1>
    %eq3A_214 = vector.broadcast %sub3A_208 : i32 to vector<1x1x8x128xi32>
    %eq3A_215 = arith.cmpi eq, %iota3A_18, %eq3A_214 : vector<1x1x8x128xi32>
    %and3A_216 = arith.andi %and3A_213, %eq3A_215 : vector<1x1x8x128xi1>
    %convert_element_type3A_217 = arith.extui %and3A_216 : vector<1x1x8x128xi1> to vector<1x1x8x128xi32>
    %convert_element_type3A_218 = arith.sitofp %convert_element_type3A_217 : vector<1x1x8x128xi32> to vector<1x1x8x128xf32>
    %add3A_219 = arith.addf %add3A_151, %convert_element_type3A_218 : vector<1x1x8x128xf32>
    %get3A_220 = arith.index_cast %arg0 : i32 to index
    %get3A_221 = arith.constant 3 : index
    %get3A_222 = memref.load %arg2[%get3A_220, %get3A_221] : memref<128x16xi32, #tpu.memory_space<smem>>
    %jit3A_223 = arith.constant 1024 : i32
    %div3A_224 = arith.divsi %get3A_222, %jit3A_223 : i32
    %sign3A_225 = arith.constant 0 : i32
    %sign3A_226 = arith.cmpi sgt, %get3A_222, %sign3A_225 : i32
    %sign3A_227 = arith.extui %sign3A_226 : i1 to i32
    %sign3A_228 = arith.constant 0 : i32
    %sign3A_229 = arith.cmpi slt, %get3A_222, %sign3A_228 : i32
    %sign3A_230 = arith.extui %sign3A_229 : i1 to i32
    %sign3A_231 = arith.subi %sign3A_227, %sign3A_230 : i32
    %sign3A_232 = arith.constant 0 : i32
    %sign3A_233 = arith.cmpi sgt, %jit3A_223, %sign3A_232 : i32
    %sign3A_234 = arith.extui %sign3A_233 : i1 to i32
    %sign3A_235 = arith.constant 0 : i32
    %sign3A_236 = arith.cmpi slt, %jit3A_223, %sign3A_235 : i32
    %sign3A_237 = arith.extui %sign3A_236 : i1 to i32
    %sign3A_238 = arith.subi %sign3A_234, %sign3A_237 : i32
    %ne3A_239 = arith.cmpi ne, %sign3A_231, %sign3A_238 : i32
    %rem3A_240 = arith.remsi %get3A_222, %jit3A_223 : i32
    %ne3A_241 = arith.constant 0 : i32
    %ne3A_242 = arith.cmpi ne, %rem3A_240, %ne3A_241 : i32
    %and3A_243 = arith.andi %ne3A_239, %ne3A_242 : i1
    %sub3A_244 = arith.constant 1 : i32
    %sub3A_245 = arith.subi %div3A_224, %sub3A_244 : i32
    %select_n3A_246 = arith.select %and3A_243, %sub3A_245, %div3A_224 : i32
    %mul3A_247 = arith.constant 1024 : i32
    %mul3A_248 = arith.muli %select_n3A_246, %mul3A_247 : i32
    %sub3A_249 = arith.subi %get3A_222, %mul3A_248 : i32
    %jit3A_250 = arith.constant 128 : i32
    %div3A_251 = arith.divsi %sub3A_249, %jit3A_250 : i32
    %sign3A_252 = arith.constant 0 : i32
    %sign3A_253 = arith.cmpi sgt, %sub3A_249, %sign3A_252 : i32
    %sign3A_254 = arith.extui %sign3A_253 : i1 to i32
    %sign3A_255 = arith.constant 0 : i32
    %sign3A_256 = arith.cmpi slt, %sub3A_249, %sign3A_255 : i32
    %sign3A_257 = arith.extui %sign3A_256 : i1 to i32
    %sign3A_258 = arith.subi %sign3A_254, %sign3A_257 : i32
    %sign3A_259 = arith.constant 0 : i32
    %sign3A_260 = arith.cmpi sgt, %jit3A_250, %sign3A_259 : i32
    %sign3A_261 = arith.extui %sign3A_260 : i1 to i32
    %sign3A_262 = arith.constant 0 : i32
    %sign3A_263 = arith.cmpi slt, %jit3A_250, %sign3A_262 : i32
    %sign3A_264 = arith.extui %sign3A_263 : i1 to i32
    %sign3A_265 = arith.subi %sign3A_261, %sign3A_264 : i32
    %ne3A_266 = arith.cmpi ne, %sign3A_258, %sign3A_265 : i32
    %rem3A_267 = arith.remsi %sub3A_249, %jit3A_250 : i32
    %ne3A_268 = arith.constant 0 : i32
    %ne3A_269 = arith.cmpi ne, %rem3A_267, %ne3A_268 : i32
    %and3A_270 = arith.andi %ne3A_266, %ne3A_269 : i1
    %sub3A_271 = arith.constant 1 : i32
    %sub3A_272 = arith.subi %div3A_251, %sub3A_271 : i32
    %select_n3A_273 = arith.select %and3A_270, %sub3A_272, %div3A_251 : i32
    %mul3A_274 = arith.constant 128 : i32
    %mul3A_275 = arith.muli %select_n3A_273, %mul3A_274 : i32
    %sub3A_276 = arith.subi %sub3A_249, %mul3A_275 : i32
    %eq3A_277 = arith.cmpi eq, %select_n3A_246, %select_n3A : i32
    %eq3A_278 = vector.broadcast %select_n3A_273 : i32 to vector<1x1x8x128xi32>
    %eq3A_279 = arith.cmpi eq, %iota3A, %eq3A_278 : vector<1x1x8x128xi32>
    %and3A_280 = vector.broadcast %eq3A_277 : i1 to vector<1x1x8x128xi1>
    %and3A_281 = arith.andi %and3A_280, %eq3A_279 : vector<1x1x8x128xi1>
    %eq3A_282 = vector.broadcast %sub3A_276 : i32 to vector<1x1x8x128xi32>
    %eq3A_283 = arith.cmpi eq, %iota3A_18, %eq3A_282 : vector<1x1x8x128xi32>
    %and3A_284 = arith.andi %and3A_281, %eq3A_283 : vector<1x1x8x128xi1>
    %convert_element_type3A_285 = arith.extui %and3A_284 : vector<1x1x8x128xi1> to vector<1x1x8x128xi32>
    %convert_element_type3A_286 = arith.sitofp %convert_element_type3A_285 : vector<1x1x8x128xi32> to vector<1x1x8x128xf32>
    %add3A_287 = arith.addf %add3A_219, %convert_element_type3A_286 : vector<1x1x8x128xf32>
    %get3A_288 = arith.index_cast %arg0 : i32 to index
    %get3A_289 = arith.constant 4 : index
    %get3A_290 = memref.load %arg2[%get3A_288, %get3A_289] : memref<128x16xi32, #tpu.memory_space<smem>>
    %jit3A_291 = arith.constant 1024 : i32
    %div3A_292 = arith.divsi %get3A_290, %jit3A_291 : i32
    %sign3A_293 = arith.constant 0 : i32
    %sign3A_294 = arith.cmpi sgt, %get3A_290, %sign3A_293 : i32
    %sign3A_295 = arith.extui %sign3A_294 : i1 to i32
    %sign3A_296 = arith.constant 0 : i32
    %sign3A_297 = arith.cmpi slt, %get3A_290, %sign3A_296 : i32
    %sign3A_298 = arith.extui %sign3A_297 : i1 to i32
    %sign3A_299 = arith.subi %sign3A_295, %sign3A_298 : i32
    %sign3A_300 = arith.constant 0 : i32
    %sign3A_301 = arith.cmpi sgt, %jit3A_291, %sign3A_300 : i32
    %sign3A_302 = arith.extui %sign3A_301 : i1 to i32
    %sign3A_303 = arith.constant 0 : i32
    %sign3A_304 = arith.cmpi slt, %jit3A_291, %sign3A_303 : i32
    %sign3A_305 = arith.extui %sign3A_304 : i1 to i32
    %sign3A_306 = arith.subi %sign3A_302, %sign3A_305 : i32
    %ne3A_307 = arith.cmpi ne, %sign3A_299, %sign3A_306 : i32
    %rem3A_308 = arith.remsi %get3A_290, %jit3A_291 : i32
    %ne3A_309 = arith.constant 0 : i32
    %ne3A_310 = arith.cmpi ne, %rem3A_308, %ne3A_309 : i32
    %and3A_311 = arith.andi %ne3A_307, %ne3A_310 : i1
    %sub3A_312 = arith.constant 1 : i32
    %sub3A_313 = arith.subi %div3A_292, %sub3A_312 : i32
    %select_n3A_314 = arith.select %and3A_311, %sub3A_313, %div3A_292 : i32
    %mul3A_315 = arith.constant 1024 : i32
    %mul3A_316 = arith.muli %select_n3A_314, %mul3A_315 : i32
    %sub3A_317 = arith.subi %get3A_290, %mul3A_316 : i32
    %jit3A_318 = arith.constant 128 : i32
    %div3A_319 = arith.divsi %sub3A_317, %jit3A_318 : i32
    %sign3A_320 = arith.constant 0 : i32
    %sign3A_321 = arith.cmpi sgt, %sub3A_317, %sign3A_320 : i32
    %sign3A_322 = arith.extui %sign3A_321 : i1 to i32
    %sign3A_323 = arith.constant 0 : i32
    %sign3A_324 = arith.cmpi slt, %sub3A_317, %sign3A_323 : i32
    %sign3A_325 = arith.extui %sign3A_324 : i1 to i32
    %sign3A_326 = arith.subi %sign3A_322, %sign3A_325 : i32
    %sign3A_327 = arith.constant 0 : i32
    %sign3A_328 = arith.cmpi sgt, %jit3A_318, %sign3A_327 : i32
    %sign3A_329 = arith.extui %sign3A_328 : i1 to i32
    %sign3A_330 = arith.constant 0 : i32
    %sign3A_331 = arith.cmpi slt, %jit3A_318, %sign3A_330 : i32
    %sign3A_332 = arith.extui %sign3A_331 : i1 to i32
    %sign3A_333 = arith.subi %sign3A_329, %sign3A_332 : i32
    %ne3A_334 = arith.cmpi ne, %sign3A_326, %sign3A_333 : i32
    %rem3A_335 = arith.remsi %sub3A_317, %jit3A_318 : i32
    %ne3A_336 = arith.constant 0 : i32
    %ne3A_337 = arith.cmpi ne, %rem3A_335, %ne3A_336 : i32
    %and3A_338 = arith.andi %ne3A_334, %ne3A_337 : i1
    %sub3A_339 = arith.constant 1 : i32
    %sub3A_340 = arith.subi %div3A_319, %sub3A_339 : i32
    %select_n3A_341 = arith.select %and3A_338, %sub3A_340, %div3A_319 : i32
    %mul3A_342 = arith.constant 128 : i32
    %mul3A_343 = arith.muli %select_n3A_341, %mul3A_342 : i32
    %sub3A_344 = arith.subi %sub3A_317, %mul3A_343 : i32
    %eq3A_345 = arith.cmpi eq, %select_n3A_314, %select_n3A : i32
    %eq3A_346 = vector.broadcast %select_n3A_341 : i32 to vector<1x1x8x128xi32>
    %eq3A_347 = arith.cmpi eq, %iota3A, %eq3A_346 : vector<1x1x8x128xi32>
    %and3A_348 = vector.broadcast %eq3A_345 : i1 to vector<1x1x8x128xi1>
    %and3A_349 = arith.andi %and3A_348, %eq3A_347 : vector<1x1x8x128xi1>
    %eq3A_350 = vector.broadcast %sub3A_344 : i32 to vector<1x1x8x128xi32>
    %eq3A_351 = arith.cmpi eq, %iota3A_18, %eq3A_350 : vector<1x1x8x128xi32>
    %and3A_352 = arith.andi %and3A_349, %eq3A_351 : vector<1x1x8x128xi1>
    %convert_element_type3A_353 = arith.extui %and3A_352 : vector<1x1x8x128xi1> to vector<1x1x8x128xi32>
    %convert_element_type3A_354 = arith.sitofp %convert_element_type3A_353 : vector<1x1x8x128xi32> to vector<1x1x8x128xf32>
    %add3A_355 = arith.addf %add3A_287, %convert_element_type3A_354 : vector<1x1x8x128xf32>
    %get3A_356 = arith.index_cast %arg0 : i32 to index
    %get3A_357 = arith.constant 5 : index
    %get3A_358 = memref.load %arg2[%get3A_356, %get3A_357] : memref<128x16xi32, #tpu.memory_space<smem>>
    %jit3A_359 = arith.constant 1024 : i32
    %div3A_360 = arith.divsi %get3A_358, %jit3A_359 : i32
    %sign3A_361 = arith.constant 0 : i32
    %sign3A_362 = arith.cmpi sgt, %get3A_358, %sign3A_361 : i32
    %sign3A_363 = arith.extui %sign3A_362 : i1 to i32
    %sign3A_364 = arith.constant 0 : i32
    %sign3A_365 = arith.cmpi slt, %get3A_358, %sign3A_364 : i32
    %sign3A_366 = arith.extui %sign3A_365 : i1 to i32
    %sign3A_367 = arith.subi %sign3A_363, %sign3A_366 : i32
    %sign3A_368 = arith.constant 0 : i32
    %sign3A_369 = arith.cmpi sgt, %jit3A_359, %sign3A_368 : i32
    %sign3A_370 = arith.extui %sign3A_369 : i1 to i32
    %sign3A_371 = arith.constant 0 : i32
    %sign3A_372 = arith.cmpi slt, %jit3A_359, %sign3A_371 : i32
    %sign3A_373 = arith.extui %sign3A_372 : i1 to i32
    %sign3A_374 = arith.subi %sign3A_370, %sign3A_373 : i32
    %ne3A_375 = arith.cmpi ne, %sign3A_367, %sign3A_374 : i32
    %rem3A_376 = arith.remsi %get3A_358, %jit3A_359 : i32
    %ne3A_377 = arith.constant 0 : i32
    %ne3A_378 = arith.cmpi ne, %rem3A_376, %ne3A_377 : i32
    %and3A_379 = arith.andi %ne3A_375, %ne3A_378 : i1
    %sub3A_380 = arith.constant 1 : i32
    %sub3A_381 = arith.subi %div3A_360, %sub3A_380 : i32
    %select_n3A_382 = arith.select %and3A_379, %sub3A_381, %div3A_360 : i32
    %mul3A_383 = arith.constant 1024 : i32
    %mul3A_384 = arith.muli %select_n3A_382, %mul3A_383 : i32
    %sub3A_385 = arith.subi %get3A_358, %mul3A_384 : i32
    %jit3A_386 = arith.constant 128 : i32
    %div3A_387 = arith.divsi %sub3A_385, %jit3A_386 : i32
    %sign3A_388 = arith.constant 0 : i32
    %sign3A_389 = arith.cmpi sgt, %sub3A_385, %sign3A_388 : i32
    %sign3A_390 = arith.extui %sign3A_389 : i1 to i32
    %sign3A_391 = arith.constant 0 : i32
    %sign3A_392 = arith.cmpi slt, %sub3A_385, %sign3A_391 : i32
    %sign3A_393 = arith.extui %sign3A_392 : i1 to i32
    %sign3A_394 = arith.subi %sign3A_390, %sign3A_393 : i32
    %sign3A_395 = arith.constant 0 : i32
    %sign3A_396 = arith.cmpi sgt, %jit3A_386, %sign3A_395 : i32
    %sign3A_397 = arith.extui %sign3A_396 : i1 to i32
    %sign3A_398 = arith.constant 0 : i32
    %sign3A_399 = arith.cmpi slt, %jit3A_386, %sign3A_398 : i32
    %sign3A_400 = arith.extui %sign3A_399 : i1 to i32
    %sign3A_401 = arith.subi %sign3A_397, %sign3A_400 : i32
    %ne3A_402 = arith.cmpi ne, %sign3A_394, %sign3A_401 : i32
    %rem3A_403 = arith.remsi %sub3A_385, %jit3A_386 : i32
    %ne3A_404 = arith.constant 0 : i32
    %ne3A_405 = arith.cmpi ne, %rem3A_403, %ne3A_404 : i32
    %and3A_406 = arith.andi %ne3A_402, %ne3A_405 : i1
    %sub3A_407 = arith.constant 1 : i32
    %sub3A_408 = arith.subi %div3A_387, %sub3A_407 : i32
    %select_n3A_409 = arith.select %and3A_406, %sub3A_408, %div3A_387 : i32
    %mul3A_410 = arith.constant 128 : i32
    %mul3A_411 = arith.muli %select_n3A_409, %mul3A_410 : i32
    %sub3A_412 = arith.subi %sub3A_385, %mul3A_411 : i32
    %eq3A_413 = arith.cmpi eq, %select_n3A_382, %select_n3A : i32
    %eq3A_414 = vector.broadcast %select_n3A_409 : i32 to vector<1x1x8x128xi32>
    %eq3A_415 = arith.cmpi eq, %iota3A, %eq3A_414 : vector<1x1x8x128xi32>
    %and3A_416 = vector.broadcast %eq3A_413 : i1 to vector<1x1x8x128xi1>
    %and3A_417 = arith.andi %and3A_416, %eq3A_415 : vector<1x1x8x128xi1>
    %eq3A_418 = vector.broadcast %sub3A_412 : i32 to vector<1x1x8x128xi32>
    %eq3A_419 = arith.cmpi eq, %iota3A_18, %eq3A_418 : vector<1x1x8x128xi32>
    %and3A_420 = arith.andi %and3A_417, %eq3A_419 : vector<1x1x8x128xi1>
    %convert_element_type3A_421 = arith.extui %and3A_420 : vector<1x1x8x128xi1> to vector<1x1x8x128xi32>
    %convert_element_type3A_422 = arith.sitofp %convert_element_type3A_421 : vector<1x1x8x128xi32> to vector<1x1x8x128xf32>
    %add3A_423 = arith.addf %add3A_355, %convert_element_type3A_422 : vector<1x1x8x128xf32>
    %get3A_424 = arith.index_cast %arg0 : i32 to index
    %get3A_425 = arith.constant 6 : index
    %get3A_426 = memref.load %arg2[%get3A_424, %get3A_425] : memref<128x16xi32, #tpu.memory_space<smem>>
    %jit3A_427 = arith.constant 1024 : i32
    %div3A_428 = arith.divsi %get3A_426, %jit3A_427 : i32
    %sign3A_429 = arith.constant 0 : i32
    %sign3A_430 = arith.cmpi sgt, %get3A_426, %sign3A_429 : i32
    %sign3A_431 = arith.extui %sign3A_430 : i1 to i32
    %sign3A_432 = arith.constant 0 : i32
    %sign3A_433 = arith.cmpi slt, %get3A_426, %sign3A_432 : i32
    %sign3A_434 = arith.extui %sign3A_433 : i1 to i32
    %sign3A_435 = arith.subi %sign3A_431, %sign3A_434 : i32
    %sign3A_436 = arith.constant 0 : i32
    %sign3A_437 = arith.cmpi sgt, %jit3A_427, %sign3A_436 : i32
    %sign3A_438 = arith.extui %sign3A_437 : i1 to i32
    %sign3A_439 = arith.constant 0 : i32
    %sign3A_440 = arith.cmpi slt, %jit3A_427, %sign3A_439 : i32
    %sign3A_441 = arith.extui %sign3A_440 : i1 to i32
    %sign3A_442 = arith.subi %sign3A_438, %sign3A_441 : i32
    %ne3A_443 = arith.cmpi ne, %sign3A_435, %sign3A_442 : i32
    %rem3A_444 = arith.remsi %get3A_426, %jit3A_427 : i32
    %ne3A_445 = arith.constant 0 : i32
    %ne3A_446 = arith.cmpi ne, %rem3A_444, %ne3A_445 : i32
    %and3A_447 = arith.andi %ne3A_443, %ne3A_446 : i1
    %sub3A_448 = arith.constant 1 : i32
    %sub3A_449 = arith.subi %div3A_428, %sub3A_448 : i32
    %select_n3A_450 = arith.select %and3A_447, %sub3A_449, %div3A_428 : i32
    %mul3A_451 = arith.constant 1024 : i32
    %mul3A_452 = arith.muli %select_n3A_450, %mul3A_451 : i32
    %sub3A_453 = arith.subi %get3A_426, %mul3A_452 : i32
    %jit3A_454 = arith.constant 128 : i32
    %div3A_455 = arith.divsi %sub3A_453, %jit3A_454 : i32
    %sign3A_456 = arith.constant 0 : i32
    %sign3A_457 = arith.cmpi sgt, %sub3A_453, %sign3A_456 : i32
    %sign3A_458 = arith.extui %sign3A_457 : i1 to i32
    %sign3A_459 = arith.constant 0 : i32
    %sign3A_460 = arith.cmpi slt, %sub3A_453, %sign3A_459 : i32
    %sign3A_461 = arith.extui %sign3A_460 : i1 to i32
    %sign3A_462 = arith.subi %sign3A_458, %sign3A_461 : i32
    %sign3A_463 = arith.constant 0 : i32
    %sign3A_464 = arith.cmpi sgt, %jit3A_454, %sign3A_463 : i32
    %sign3A_465 = arith.extui %sign3A_464 : i1 to i32
    %sign3A_466 = arith.constant 0 : i32
    %sign3A_467 = arith.cmpi slt, %jit3A_454, %sign3A_466 : i32
    %sign3A_468 = arith.extui %sign3A_467 : i1 to i32
    %sign3A_469 = arith.subi %sign3A_465, %sign3A_468 : i32
    %ne3A_470 = arith.cmpi ne, %sign3A_462, %sign3A_469 : i32
    %rem3A_471 = arith.remsi %sub3A_453, %jit3A_454 : i32
    %ne3A_472 = arith.constant 0 : i32
    %ne3A_473 = arith.cmpi ne, %rem3A_471, %ne3A_472 : i32
    %and3A_474 = arith.andi %ne3A_470, %ne3A_473 : i1
    %sub3A_475 = arith.constant 1 : i32
    %sub3A_476 = arith.subi %div3A_455, %sub3A_475 : i32
    %select_n3A_477 = arith.select %and3A_474, %sub3A_476, %div3A_455 : i32
    %mul3A_478 = arith.constant 128 : i32
    %mul3A_479 = arith.muli %select_n3A_477, %mul3A_478 : i32
    %sub3A_480 = arith.subi %sub3A_453, %mul3A_479 : i32
    %eq3A_481 = arith.cmpi eq, %select_n3A_450, %select_n3A : i32
    %eq3A_482 = vector.broadcast %select_n3A_477 : i32 to vector<1x1x8x128xi32>
    %eq3A_483 = arith.cmpi eq, %iota3A, %eq3A_482 : vector<1x1x8x128xi32>
    %and3A_484 = vector.broadcast %eq3A_481 : i1 to vector<1x1x8x128xi1>
    %and3A_485 = arith.andi %and3A_484, %eq3A_483 : vector<1x1x8x128xi1>
    %eq3A_486 = vector.broadcast %sub3A_480 : i32 to vector<1x1x8x128xi32>
    %eq3A_487 = arith.cmpi eq, %iota3A_18, %eq3A_486 : vector<1x1x8x128xi32>
    %and3A_488 = arith.andi %and3A_485, %eq3A_487 : vector<1x1x8x128xi1>
    %convert_element_type3A_489 = arith.extui %and3A_488 : vector<1x1x8x128xi1> to vector<1x1x8x128xi32>
    %convert_element_type3A_490 = arith.sitofp %convert_element_type3A_489 : vector<1x1x8x128xi32> to vector<1x1x8x128xf32>
    %add3A_491 = arith.addf %add3A_423, %convert_element_type3A_490 : vector<1x1x8x128xf32>
    %get3A_492 = arith.index_cast %arg0 : i32 to index
    %get3A_493 = arith.constant 7 : index
    %get3A_494 = memref.load %arg2[%get3A_492, %get3A_493] : memref<128x16xi32, #tpu.memory_space<smem>>
    %jit3A_495 = arith.constant 1024 : i32
    %div3A_496 = arith.divsi %get3A_494, %jit3A_495 : i32
    %sign3A_497 = arith.constant 0 : i32
    %sign3A_498 = arith.cmpi sgt, %get3A_494, %sign3A_497 : i32
    %sign3A_499 = arith.extui %sign3A_498 : i1 to i32
    %sign3A_500 = arith.constant 0 : i32
    %sign3A_501 = arith.cmpi slt, %get3A_494, %sign3A_500 : i32
    %sign3A_502 = arith.extui %sign3A_501 : i1 to i32
    %sign3A_503 = arith.subi %sign3A_499, %sign3A_502 : i32
    %sign3A_504 = arith.constant 0 : i32
    %sign3A_505 = arith.cmpi sgt, %jit3A_495, %sign3A_504 : i32
    %sign3A_506 = arith.extui %sign3A_505 : i1 to i32
    %sign3A_507 = arith.constant 0 : i32
    %sign3A_508 = arith.cmpi slt, %jit3A_495, %sign3A_507 : i32
    %sign3A_509 = arith.extui %sign3A_508 : i1 to i32
    %sign3A_510 = arith.subi %sign3A_506, %sign3A_509 : i32
    %ne3A_511 = arith.cmpi ne, %sign3A_503, %sign3A_510 : i32
    %rem3A_512 = arith.remsi %get3A_494, %jit3A_495 : i32
    %ne3A_513 = arith.constant 0 : i32
    %ne3A_514 = arith.cmpi ne, %rem3A_512, %ne3A_513 : i32
    %and3A_515 = arith.andi %ne3A_511, %ne3A_514 : i1
    %sub3A_516 = arith.constant 1 : i32
    %sub3A_517 = arith.subi %div3A_496, %sub3A_516 : i32
    %select_n3A_518 = arith.select %and3A_515, %sub3A_517, %div3A_496 : i32
    %mul3A_519 = arith.constant 1024 : i32
    %mul3A_520 = arith.muli %select_n3A_518, %mul3A_519 : i32
    %sub3A_521 = arith.subi %get3A_494, %mul3A_520 : i32
    %jit3A_522 = arith.constant 128 : i32
    %div3A_523 = arith.divsi %sub3A_521, %jit3A_522 : i32
    %sign3A_524 = arith.constant 0 : i32
    %sign3A_525 = arith.cmpi sgt, %sub3A_521, %sign3A_524 : i32
    %sign3A_526 = arith.extui %sign3A_525 : i1 to i32
    %sign3A_527 = arith.constant 0 : i32
    %sign3A_528 = arith.cmpi slt, %sub3A_521, %sign3A_527 : i32
    %sign3A_529 = arith.extui %sign3A_528 : i1 to i32
    %sign3A_530 = arith.subi %sign3A_526, %sign3A_529 : i32
    %sign3A_531 = arith.constant 0 : i32
    %sign3A_532 = arith.cmpi sgt, %jit3A_522, %sign3A_531 : i32
    %sign3A_533 = arith.extui %sign3A_532 : i1 to i32
    %sign3A_534 = arith.constant 0 : i32
    %sign3A_535 = arith.cmpi slt, %jit3A_522, %sign3A_534 : i32
    %sign3A_536 = arith.extui %sign3A_535 : i1 to i32
    %sign3A_537 = arith.subi %sign3A_533, %sign3A_536 : i32
    %ne3A_538 = arith.cmpi ne, %sign3A_530, %sign3A_537 : i32
    %rem3A_539 = arith.remsi %sub3A_521, %jit3A_522 : i32
    %ne3A_540 = arith.constant 0 : i32
    %ne3A_541 = arith.cmpi ne, %rem3A_539, %ne3A_540 : i32
    %and3A_542 = arith.andi %ne3A_538, %ne3A_541 : i1
    %sub3A_543 = arith.constant 1 : i32
    %sub3A_544 = arith.subi %div3A_523, %sub3A_543 : i32
    %select_n3A_545 = arith.select %and3A_542, %sub3A_544, %div3A_523 : i32
    %mul3A_546 = arith.constant 128 : i32
    %mul3A_547 = arith.muli %select_n3A_545, %mul3A_546 : i32
    %sub3A_548 = arith.subi %sub3A_521, %mul3A_547 : i32
    %eq3A_549 = arith.cmpi eq, %select_n3A_518, %select_n3A : i32
    %eq3A_550 = vector.broadcast %select_n3A_545 : i32 to vector<1x1x8x128xi32>
    %eq3A_551 = arith.cmpi eq, %iota3A, %eq3A_550 : vector<1x1x8x128xi32>
    %and3A_552 = vector.broadcast %eq3A_549 : i1 to vector<1x1x8x128xi1>
    %and3A_553 = arith.andi %and3A_552, %eq3A_551 : vector<1x1x8x128xi1>
    %eq3A_554 = vector.broadcast %sub3A_548 : i32 to vector<1x1x8x128xi32>
    %eq3A_555 = arith.cmpi eq, %iota3A_18, %eq3A_554 : vector<1x1x8x128xi32>
    %and3A_556 = arith.andi %and3A_553, %eq3A_555 : vector<1x1x8x128xi1>
    %convert_element_type3A_557 = arith.extui %and3A_556 : vector<1x1x8x128xi1> to vector<1x1x8x128xi32>
    %convert_element_type3A_558 = arith.sitofp %convert_element_type3A_557 : vector<1x1x8x128xi32> to vector<1x1x8x128xf32>
    %add3A_559 = arith.addf %add3A_491, %convert_element_type3A_558 : vector<1x1x8x128xf32>
    %get3A_560 = arith.index_cast %arg0 : i32 to index
    %get3A_561 = arith.constant 8 : index
    %get3A_562 = memref.load %arg2[%get3A_560, %get3A_561] : memref<128x16xi32, #tpu.memory_space<smem>>
    %jit3A_563 = arith.constant 1024 : i32
    %div3A_564 = arith.divsi %get3A_562, %jit3A_563 : i32
    %sign3A_565 = arith.constant 0 : i32
    %sign3A_566 = arith.cmpi sgt, %get3A_562, %sign3A_565 : i32
    %sign3A_567 = arith.extui %sign3A_566 : i1 to i32
    %sign3A_568 = arith.constant 0 : i32
    %sign3A_569 = arith.cmpi slt, %get3A_562, %sign3A_568 : i32
    %sign3A_570 = arith.extui %sign3A_569 : i1 to i32
    %sign3A_571 = arith.subi %sign3A_567, %sign3A_570 : i32
    %sign3A_572 = arith.constant 0 : i32
    %sign3A_573 = arith.cmpi sgt, %jit3A_563, %sign3A_572 : i32
    %sign3A_574 = arith.extui %sign3A_573 : i1 to i32
    %sign3A_575 = arith.constant 0 : i32
    %sign3A_576 = arith.cmpi slt, %jit3A_563, %sign3A_575 : i32
    %sign3A_577 = arith.extui %sign3A_576 : i1 to i32
    %sign3A_578 = arith.subi %sign3A_574, %sign3A_577 : i32
    %ne3A_579 = arith.cmpi ne, %sign3A_571, %sign3A_578 : i32
    %rem3A_580 = arith.remsi %get3A_562, %jit3A_563 : i32
    %ne3A_581 = arith.constant 0 : i32
    %ne3A_582 = arith.cmpi ne, %rem3A_580, %ne3A_581 : i32
    %and3A_583 = arith.andi %ne3A_579, %ne3A_582 : i1
    %sub3A_584 = arith.constant 1 : i32
    %sub3A_585 = arith.subi %div3A_564, %sub3A_584 : i32
    %select_n3A_586 = arith.select %and3A_583, %sub3A_585, %div3A_564 : i32
    %mul3A_587 = arith.constant 1024 : i32
    %mul3A_588 = arith.muli %select_n3A_586, %mul3A_587 : i32
    %sub3A_589 = arith.subi %get3A_562, %mul3A_588 : i32
    %jit3A_590 = arith.constant 128 : i32
    %div3A_591 = arith.divsi %sub3A_589, %jit3A_590 : i32
    %sign3A_592 = arith.constant 0 : i32
    %sign3A_593 = arith.cmpi sgt, %sub3A_589, %sign3A_592 : i32
    %sign3A_594 = arith.extui %sign3A_593 : i1 to i32
    %sign3A_595 = arith.constant 0 : i32
    %sign3A_596 = arith.cmpi slt, %sub3A_589, %sign3A_595 : i32
    %sign3A_597 = arith.extui %sign3A_596 : i1 to i32
    %sign3A_598 = arith.subi %sign3A_594, %sign3A_597 : i32
    %sign3A_599 = arith.constant 0 : i32
    %sign3A_600 = arith.cmpi sgt, %jit3A_590, %sign3A_599 : i32
    %sign3A_601 = arith.extui %sign3A_600 : i1 to i32
    %sign3A_602 = arith.constant 0 : i32
    %sign3A_603 = arith.cmpi slt, %jit3A_590, %sign3A_602 : i32
    %sign3A_604 = arith.extui %sign3A_603 : i1 to i32
    %sign3A_605 = arith.subi %sign3A_601, %sign3A_604 : i32
    %ne3A_606 = arith.cmpi ne, %sign3A_598, %sign3A_605 : i32
    %rem3A_607 = arith.remsi %sub3A_589, %jit3A_590 : i32
    %ne3A_608 = arith.constant 0 : i32
    %ne3A_609 = arith.cmpi ne, %rem3A_607, %ne3A_608 : i32
    %and3A_610 = arith.andi %ne3A_606, %ne3A_609 : i1
    %sub3A_611 = arith.constant 1 : i32
    %sub3A_612 = arith.subi %div3A_591, %sub3A_611 : i32
    %select_n3A_613 = arith.select %and3A_610, %sub3A_612, %div3A_591 : i32
    %mul3A_614 = arith.constant 128 : i32
    %mul3A_615 = arith.muli %select_n3A_613, %mul3A_614 : i32
    %sub3A_616 = arith.subi %sub3A_589, %mul3A_615 : i32
    %eq3A_617 = arith.cmpi eq, %select_n3A_586, %select_n3A : i32
    %eq3A_618 = vector.broadcast %select_n3A_613 : i32 to vector<1x1x8x128xi32>
    %eq3A_619 = arith.cmpi eq, %iota3A, %eq3A_618 : vector<1x1x8x128xi32>
    %and3A_620 = vector.broadcast %eq3A_617 : i1 to vector<1x1x8x128xi1>
    %and3A_621 = arith.andi %and3A_620, %eq3A_619 : vector<1x1x8x128xi1>
    %eq3A_622 = vector.broadcast %sub3A_616 : i32 to vector<1x1x8x128xi32>
    %eq3A_623 = arith.cmpi eq, %iota3A_18, %eq3A_622 : vector<1x1x8x128xi32>
    %and3A_624 = arith.andi %and3A_621, %eq3A_623 : vector<1x1x8x128xi1>
    %convert_element_type3A_625 = arith.extui %and3A_624 : vector<1x1x8x128xi1> to vector<1x1x8x128xi32>
    %convert_element_type3A_626 = arith.sitofp %convert_element_type3A_625 : vector<1x1x8x128xi32> to vector<1x1x8x128xf32>
    %add3A_627 = arith.addf %add3A_559, %convert_element_type3A_626 : vector<1x1x8x128xf32>
    %get3A_628 = arith.index_cast %arg0 : i32 to index
    %get3A_629 = arith.constant 9 : index
    %get3A_630 = memref.load %arg2[%get3A_628, %get3A_629] : memref<128x16xi32, #tpu.memory_space<smem>>
    %jit3A_631 = arith.constant 1024 : i32
    %div3A_632 = arith.divsi %get3A_630, %jit3A_631 : i32
    %sign3A_633 = arith.constant 0 : i32
    %sign3A_634 = arith.cmpi sgt, %get3A_630, %sign3A_633 : i32
    %sign3A_635 = arith.extui %sign3A_634 : i1 to i32
    %sign3A_636 = arith.constant 0 : i32
    %sign3A_637 = arith.cmpi slt, %get3A_630, %sign3A_636 : i32
    %sign3A_638 = arith.extui %sign3A_637 : i1 to i32
    %sign3A_639 = arith.subi %sign3A_635, %sign3A_638 : i32
    %sign3A_640 = arith.constant 0 : i32
    %sign3A_641 = arith.cmpi sgt, %jit3A_631, %sign3A_640 : i32
    %sign3A_642 = arith.extui %sign3A_641 : i1 to i32
    %sign3A_643 = arith.constant 0 : i32
    %sign3A_644 = arith.cmpi slt, %jit3A_631, %sign3A_643 : i32
    %sign3A_645 = arith.extui %sign3A_644 : i1 to i32
    %sign3A_646 = arith.subi %sign3A_642, %sign3A_645 : i32
    %ne3A_647 = arith.cmpi ne, %sign3A_639, %sign3A_646 : i32
    %rem3A_648 = arith.remsi %get3A_630, %jit3A_631 : i32
    %ne3A_649 = arith.constant 0 : i32
    %ne3A_650 = arith.cmpi ne, %rem3A_648, %ne3A_649 : i32
    %and3A_651 = arith.andi %ne3A_647, %ne3A_650 : i1
    %sub3A_652 = arith.constant 1 : i32
    %sub3A_653 = arith.subi %div3A_632, %sub3A_652 : i32
    %select_n3A_654 = arith.select %and3A_651, %sub3A_653, %div3A_632 : i32
    %mul3A_655 = arith.constant 1024 : i32
    %mul3A_656 = arith.muli %select_n3A_654, %mul3A_655 : i32
    %sub3A_657 = arith.subi %get3A_630, %mul3A_656 : i32
    %jit3A_658 = arith.constant 128 : i32
    %div3A_659 = arith.divsi %sub3A_657, %jit3A_658 : i32
    %sign3A_660 = arith.constant 0 : i32
    %sign3A_661 = arith.cmpi sgt, %sub3A_657, %sign3A_660 : i32
    %sign3A_662 = arith.extui %sign3A_661 : i1 to i32
    %sign3A_663 = arith.constant 0 : i32
    %sign3A_664 = arith.cmpi slt, %sub3A_657, %sign3A_663 : i32
    %sign3A_665 = arith.extui %sign3A_664 : i1 to i32
    %sign3A_666 = arith.subi %sign3A_662, %sign3A_665 : i32
    %sign3A_667 = arith.constant 0 : i32
    %sign3A_668 = arith.cmpi sgt, %jit3A_658, %sign3A_667 : i32
    %sign3A_669 = arith.extui %sign3A_668 : i1 to i32
    %sign3A_670 = arith.constant 0 : i32
    %sign3A_671 = arith.cmpi slt, %jit3A_658, %sign3A_670 : i32
    %sign3A_672 = arith.extui %sign3A_671 : i1 to i32
    %sign3A_673 = arith.subi %sign3A_669, %sign3A_672 : i32
    %ne3A_674 = arith.cmpi ne, %sign3A_666, %sign3A_673 : i32
    %rem3A_675 = arith.remsi %sub3A_657, %jit3A_658 : i32
    %ne3A_676 = arith.constant 0 : i32
    %ne3A_677 = arith.cmpi ne, %rem3A_675, %ne3A_676 : i32
    %and3A_678 = arith.andi %ne3A_674, %ne3A_677 : i1
    %sub3A_679 = arith.constant 1 : i32
    %sub3A_680 = arith.subi %div3A_659, %sub3A_679 : i32
    %select_n3A_681 = arith.select %and3A_678, %sub3A_680, %div3A_659 : i32
    %mul3A_682 = arith.constant 128 : i32
    %mul3A_683 = arith.muli %select_n3A_681, %mul3A_682 : i32
    %sub3A_684 = arith.subi %sub3A_657, %mul3A_683 : i32
    %eq3A_685 = arith.cmpi eq, %select_n3A_654, %select_n3A : i32
    %eq3A_686 = vector.broadcast %select_n3A_681 : i32 to vector<1x1x8x128xi32>
    %eq3A_687 = arith.cmpi eq, %iota3A, %eq3A_686 : vector<1x1x8x128xi32>
    %and3A_688 = vector.broadcast %eq3A_685 : i1 to vector<1x1x8x128xi1>
    %and3A_689 = arith.andi %and3A_688, %eq3A_687 : vector<1x1x8x128xi1>
    %eq3A_690 = vector.broadcast %sub3A_684 : i32 to vector<1x1x8x128xi32>
    %eq3A_691 = arith.cmpi eq, %iota3A_18, %eq3A_690 : vector<1x1x8x128xi32>
    %and3A_692 = arith.andi %and3A_689, %eq3A_691 : vector<1x1x8x128xi1>
    %convert_element_type3A_693 = arith.extui %and3A_692 : vector<1x1x8x128xi1> to vector<1x1x8x128xi32>
    %convert_element_type3A_694 = arith.sitofp %convert_element_type3A_693 : vector<1x1x8x128xi32> to vector<1x1x8x128xf32>
    %add3A_695 = arith.addf %add3A_627, %convert_element_type3A_694 : vector<1x1x8x128xf32>
    %swap3A = arith.constant 0 : index
    %swap3A_696 = arith.constant 0 : index
    %swap3A_697 = arith.constant 0 : index
    %swap3A_698 = arith.constant 0 : index
    %swap3A_699 = vector.load %arg4[%swap3A, %swap3A_696, %swap3A_697, %swap3A_698] : memref<1x1x8x128xf32, #tpu.memory_space<vmem>>, vector<1x1x8x128xf32>
    tpu.vector_store %arg4[%swap3A, %swap3A_696, %swap3A_697, %swap3A_698], %add3A_695 {strides = array<i32>} : memref<1x1x8x128xf32, #tpu.memory_space<vmem>>, vector<1x1x8x128xf32>,
    return
  }
  func.func @transform_1(%arg0: i32, %arg1: i32, %arg2: memref<128x16xi32, #tpu.memory_space<smem>>) -> (i32, i32, i32, i32) {
    %get3A = arith.index_cast %arg0 : i32 to index
    %get3A_0 = arith.index_cast %arg1 : i32 to index
    %get3A_1 = memref.load %arg2[%get3A, %get3A_0] : memref<128x16xi32, #tpu.memory_space<smem>>
    %jit3A = arith.constant 1024 : i32
    %div3A = arith.divsi %get3A_1, %jit3A : i32
    %sign3A = arith.constant 0 : i32
    %sign3A_2 = arith.cmpi sgt, %get3A_1, %sign3A : i32
    %sign3A_3 = arith.extui %sign3A_2 : i1 to i32
    %sign3A_4 = arith.constant 0 : i32
    %sign3A_5 = arith.cmpi slt, %get3A_1, %sign3A_4 : i32
    %sign3A_6 = arith.extui %sign3A_5 : i1 to i32
    %sign3A_7 = arith.subi %sign3A_3, %sign3A_6 : i32
    %sign3A_8 = arith.constant 0 : i32
    %sign3A_9 = arith.cmpi sgt, %jit3A, %sign3A_8 : i32
    %sign3A_10 = arith.extui %sign3A_9 : i1 to i32
    %sign3A_11 = arith.constant 0 : i32
    %sign3A_12 = arith.cmpi slt, %jit3A, %sign3A_11 : i32
    %sign3A_13 = arith.extui %sign3A_12 : i1 to i32
    %sign3A_14 = arith.subi %sign3A_10, %sign3A_13 : i32
    %ne3A = arith.cmpi ne, %sign3A_7, %sign3A_14 : i32
    %rem3A = arith.remsi %get3A_1, %jit3A : i32
    %ne3A_15 = arith.constant 0 : i32
    %ne3A_16 = arith.cmpi ne, %rem3A, %ne3A_15 : i32
    %and3A = arith.andi %ne3A, %ne3A_16 : i1
    %sub3A = arith.constant 1 : i32
    %sub3A_17 = arith.subi %div3A, %sub3A : i32
    %select_n3A = arith.select %and3A, %sub3A_17, %div3A : i32
    %c0_i32 = arith.constant 0 : i32
    %c0_i32_18 = arith.constant 0 : i32
    %c0_i32_19 = arith.constant 0 : i32
    return %arg0, %select_n3A, %c0_i32, %c0_i32_18 : i32, i32, i32, i32
  }
}

module attributes {stable_mosaic.version = 14 : i64} {
  func.func @_topk_body(%arg0: i32, %arg1: memref<8x32768xf32, #tpu.memory_space<vmem>>, %arg2: memref<8x16xi32, #tpu.memory_space<vmem>>, %arg3: memref<128x320x8x128xf32, #tpu.memory_space<any>>, %arg4: memref<320x8x128xf32, #tpu.memory_space<vmem>>, %arg5: memref<8x32768xf32, #tpu.memory_space<vmem>>, %arg6: memref<!tpu.dma_semaphore, #tpu.memory_space<semaphore_mem>>) attributes {dimension_semantics = [#tpu.dimension_semantics<arbitrary>], iteration_bounds = array<i64: 16>, scalar_prefetch = 0 : i64, scratch_operands = 3 : i64, tpu.core_type = #tpu.core_type<tc>, window_params = [{transform_indices = @transform_0, window_bounds = array<i64: 8, 32768>}, {transform_indices = @transform_1, window_bounds = array<i64: 8, 16>}, {}]} {
    %eq3A = arith.constant 0 : i32
    %eq3A_0 = arith.cmpi eq, %arg0, %eq3A : i32
    %convert_element_type3A = arith.extui %eq3A_0 : i1 to i32
    %cond3A = arith.constant 0 : i32
    %cond3A_1 = arith.cmpi ne, %convert_element_type3A, %cond3A : i32
    scf.if %cond3A_1 {
      %broadcast_in_dim3A_661 = arith.constant 0.000000e+00 : f32
      %broadcast_in_dim3A_662 = vector.broadcast %broadcast_in_dim3A_661 : f32 to vector<320x8x128xf32>
      %swap3A_663 = arith.constant 0 : index
      %swap3A_664 = arith.constant 0 : index
      %swap3A_665 = arith.constant 0 : index
      %swap3A_666 = vector.load %arg4[%swap3A_663, %swap3A_664, %swap3A_665] : memref<320x8x128xf32, #tpu.memory_space<vmem>>, vector<320x8x128xf32>
      tpu.vector_store %arg4[%swap3A_663, %swap3A_664, %swap3A_665], %broadcast_in_dim3A_662 {strides = array<i32>} : memref<320x8x128xf32, #tpu.memory_space<vmem>>, vector<320x8x128xf32>,
    } else {
    }
    %mul3A = arith.constant 8 : i32
    %mul3A_2 = arith.muli %arg0, %mul3A : i32
    %add3A = arith.constant 0 : i32
    %add3A_3 = arith.addi %mul3A_2, %add3A : i32
    %mul3A_4 = arith.constant 8 : i32
    %mul3A_5 = arith.muli %arg0, %mul3A_4 : i32
    %add3A_6 = arith.constant 1 : i32
    %add3A_7 = arith.addi %mul3A_5, %add3A_6 : i32
    %mul3A_8 = arith.constant 8 : i32
    %mul3A_9 = arith.muli %arg0, %mul3A_8 : i32
    %add3A_10 = arith.constant 2 : i32
    %add3A_11 = arith.addi %mul3A_9, %add3A_10 : i32
    %mul3A_12 = arith.constant 8 : i32
    %mul3A_13 = arith.muli %arg0, %mul3A_12 : i32
    %add3A_14 = arith.constant 3 : i32
    %add3A_15 = arith.addi %mul3A_13, %add3A_14 : i32
    %mul3A_16 = arith.constant 8 : i32
    %mul3A_17 = arith.muli %arg0, %mul3A_16 : i32
    %add3A_18 = arith.constant 4 : i32
    %add3A_19 = arith.addi %mul3A_17, %add3A_18 : i32
    %mul3A_20 = arith.constant 8 : i32
    %mul3A_21 = arith.muli %arg0, %mul3A_20 : i32
    %add3A_22 = arith.constant 5 : i32
    %add3A_23 = arith.addi %mul3A_21, %add3A_22 : i32
    %mul3A_24 = arith.constant 8 : i32
    %mul3A_25 = arith.muli %arg0, %mul3A_24 : i32
    %add3A_26 = arith.constant 6 : i32
    %add3A_27 = arith.addi %mul3A_25, %add3A_26 : i32
    %mul3A_28 = arith.constant 8 : i32
    %mul3A_29 = arith.muli %arg0, %mul3A_28 : i32
    %add3A_30 = arith.constant 7 : i32
    %add3A_31 = arith.addi %mul3A_29, %add3A_30 : i32
    %dma_start3A = arith.constant 0 : i32
    %dma_start3A_32 = arith.constant 0 : i32
    %dma_start3A_33 = arith.constant 0 : i32
    %dma_start3A_34 = tpu.memref_slice %arg3[%add3A_3, %dma_start3A, %dma_start3A_32, %dma_start3A_33] : memref<128x320x8x128xf32, #tpu.memory_space<any>> -> memref<1x320x8x128xf32, #tpu.memory_space<any>>
    %dma_start3A_35 = tpu.memref_squeeze %dma_start3A_34 : memref<1x320x8x128xf32, #tpu.memory_space<any>> -> memref<320x8x128xf32, #tpu.memory_space<any>>
    tpu.enqueue_dma source(%arg4 : memref<320x8x128xf32, #tpu.memory_space<vmem>>) target(%dma_start3A_35 : memref<320x8x128xf32, #tpu.memory_space<any>>) target_semaphore(%arg6 : memref<!tpu.dma_semaphore, #tpu.memory_space<semaphore_mem>>)
    %dma_start3A_36 = arith.constant 0 : i32
    %dma_start3A_37 = arith.constant 0 : i32
    %dma_start3A_38 = arith.constant 0 : i32
    %dma_start3A_39 = tpu.memref_slice %arg3[%add3A_7, %dma_start3A_36, %dma_start3A_37, %dma_start3A_38] : memref<128x320x8x128xf32, #tpu.memory_space<any>> -> memref<1x320x8x128xf32, #tpu.memory_space<any>>
    %dma_start3A_40 = tpu.memref_squeeze %dma_start3A_39 : memref<1x320x8x128xf32, #tpu.memory_space<any>> -> memref<320x8x128xf32, #tpu.memory_space<any>>
    tpu.enqueue_dma source(%arg4 : memref<320x8x128xf32, #tpu.memory_space<vmem>>) target(%dma_start3A_40 : memref<320x8x128xf32, #tpu.memory_space<any>>) target_semaphore(%arg6 : memref<!tpu.dma_semaphore, #tpu.memory_space<semaphore_mem>>)
    %dma_start3A_41 = arith.constant 0 : i32
    %dma_start3A_42 = arith.constant 0 : i32
    %dma_start3A_43 = arith.constant 0 : i32
    %dma_start3A_44 = tpu.memref_slice %arg3[%add3A_11, %dma_start3A_41, %dma_start3A_42, %dma_start3A_43] : memref<128x320x8x128xf32, #tpu.memory_space<any>> -> memref<1x320x8x128xf32, #tpu.memory_space<any>>
    %dma_start3A_45 = tpu.memref_squeeze %dma_start3A_44 : memref<1x320x8x128xf32, #tpu.memory_space<any>> -> memref<320x8x128xf32, #tpu.memory_space<any>>
    tpu.enqueue_dma source(%arg4 : memref<320x8x128xf32, #tpu.memory_space<vmem>>) target(%dma_start3A_45 : memref<320x8x128xf32, #tpu.memory_space<any>>) target_semaphore(%arg6 : memref<!tpu.dma_semaphore, #tpu.memory_space<semaphore_mem>>)
    %dma_start3A_46 = arith.constant 0 : i32
    %dma_start3A_47 = arith.constant 0 : i32
    %dma_start3A_48 = arith.constant 0 : i32
    %dma_start3A_49 = tpu.memref_slice %arg3[%add3A_15, %dma_start3A_46, %dma_start3A_47, %dma_start3A_48] : memref<128x320x8x128xf32, #tpu.memory_space<any>> -> memref<1x320x8x128xf32, #tpu.memory_space<any>>
    %dma_start3A_50 = tpu.memref_squeeze %dma_start3A_49 : memref<1x320x8x128xf32, #tpu.memory_space<any>> -> memref<320x8x128xf32, #tpu.memory_space<any>>
    tpu.enqueue_dma source(%arg4 : memref<320x8x128xf32, #tpu.memory_space<vmem>>) target(%dma_start3A_50 : memref<320x8x128xf32, #tpu.memory_space<any>>) target_semaphore(%arg6 : memref<!tpu.dma_semaphore, #tpu.memory_space<semaphore_mem>>)
    %dma_start3A_51 = arith.constant 0 : i32
    %dma_start3A_52 = arith.constant 0 : i32
    %dma_start3A_53 = arith.constant 0 : i32
    %dma_start3A_54 = tpu.memref_slice %arg3[%add3A_19, %dma_start3A_51, %dma_start3A_52, %dma_start3A_53] : memref<128x320x8x128xf32, #tpu.memory_space<any>> -> memref<1x320x8x128xf32, #tpu.memory_space<any>>
    %dma_start3A_55 = tpu.memref_squeeze %dma_start3A_54 : memref<1x320x8x128xf32, #tpu.memory_space<any>> -> memref<320x8x128xf32, #tpu.memory_space<any>>
    tpu.enqueue_dma source(%arg4 : memref<320x8x128xf32, #tpu.memory_space<vmem>>) target(%dma_start3A_55 : memref<320x8x128xf32, #tpu.memory_space<any>>) target_semaphore(%arg6 : memref<!tpu.dma_semaphore, #tpu.memory_space<semaphore_mem>>)
    %dma_start3A_56 = arith.constant 0 : i32
    %dma_start3A_57 = arith.constant 0 : i32
    %dma_start3A_58 = arith.constant 0 : i32
    %dma_start3A_59 = tpu.memref_slice %arg3[%add3A_23, %dma_start3A_56, %dma_start3A_57, %dma_start3A_58] : memref<128x320x8x128xf32, #tpu.memory_space<any>> -> memref<1x320x8x128xf32, #tpu.memory_space<any>>
    %dma_start3A_60 = tpu.memref_squeeze %dma_start3A_59 : memref<1x320x8x128xf32, #tpu.memory_space<any>> -> memref<320x8x128xf32, #tpu.memory_space<any>>
    tpu.enqueue_dma source(%arg4 : memref<320x8x128xf32, #tpu.memory_space<vmem>>) target(%dma_start3A_60 : memref<320x8x128xf32, #tpu.memory_space<any>>) target_semaphore(%arg6 : memref<!tpu.dma_semaphore, #tpu.memory_space<semaphore_mem>>)
    %dma_start3A_61 = arith.constant 0 : i32
    %dma_start3A_62 = arith.constant 0 : i32
    %dma_start3A_63 = arith.constant 0 : i32
    %dma_start3A_64 = tpu.memref_slice %arg3[%add3A_27, %dma_start3A_61, %dma_start3A_62, %dma_start3A_63] : memref<128x320x8x128xf32, #tpu.memory_space<any>> -> memref<1x320x8x128xf32, #tpu.memory_space<any>>
    %dma_start3A_65 = tpu.memref_squeeze %dma_start3A_64 : memref<1x320x8x128xf32, #tpu.memory_space<any>> -> memref<320x8x128xf32, #tpu.memory_space<any>>
    tpu.enqueue_dma source(%arg4 : memref<320x8x128xf32, #tpu.memory_space<vmem>>) target(%dma_start3A_65 : memref<320x8x128xf32, #tpu.memory_space<any>>) target_semaphore(%arg6 : memref<!tpu.dma_semaphore, #tpu.memory_space<semaphore_mem>>)
    %dma_start3A_66 = arith.constant 0 : i32
    %dma_start3A_67 = arith.constant 0 : i32
    %dma_start3A_68 = arith.constant 0 : i32
    %dma_start3A_69 = tpu.memref_slice %arg3[%add3A_31, %dma_start3A_66, %dma_start3A_67, %dma_start3A_68] : memref<128x320x8x128xf32, #tpu.memory_space<any>> -> memref<1x320x8x128xf32, #tpu.memory_space<any>>
    %dma_start3A_70 = tpu.memref_squeeze %dma_start3A_69 : memref<1x320x8x128xf32, #tpu.memory_space<any>> -> memref<320x8x128xf32, #tpu.memory_space<any>>
    tpu.enqueue_dma source(%arg4 : memref<320x8x128xf32, #tpu.memory_space<vmem>>) target(%dma_start3A_70 : memref<320x8x128xf32, #tpu.memory_space<any>>) target_semaphore(%arg6 : memref<!tpu.dma_semaphore, #tpu.memory_space<semaphore_mem>>)
    %iota3A = tpu.iota {dimensions = array<i32: 1>} : vector<8x32768xi32>
    %get3A = arith.constant 0 : index
    %get3A_71 = arith.constant 0 : index
    %get3A_72 = vector.load %arg1[%get3A, %get3A_71] : memref<8x32768xf32, #tpu.memory_space<vmem>>, vector<8x32768xf32>
    %swap3A = arith.constant 0 : index
    %swap3A_73 = arith.constant 0 : index
    %swap3A_74 = vector.load %arg5[%swap3A, %swap3A_73] : memref<8x32768xf32, #tpu.memory_space<vmem>>, vector<8x32768xf32>
    tpu.vector_store %arg5[%swap3A, %swap3A_73], %get3A_72 {strides = array<i32>} : memref<8x32768xf32, #tpu.memory_space<vmem>>, vector<8x32768xf32>,
    %get3A_75 = arith.constant 0 : index
    %get3A_76 = arith.constant 0 : index
    %get3A_77 = vector.load %arg5[%get3A_75, %get3A_76] : memref<8x32768xf32, #tpu.memory_space<vmem>>, vector<8x32768xf32>
    %reduce_max3A = arith.constant dense<0xFF800000> : vector<8xf32>
    %reduce_max3A_78 = vector.multi_reduction <maximumf>, %get3A_77, %reduce_max3A [1] : vector<8x32768xf32> to vector<8xf32>
    %broadcast_in_dim3A = vector.shape_cast %reduce_max3A_78 : vector<8xf32> to vector<8x1xf32>
    %eq3A_79 = vector.broadcast %broadcast_in_dim3A : vector<8x1xf32> to vector<8x32768xf32>
    %eq3A_80 = arith.cmpf oeq, %get3A_77, %eq3A_79 : vector<8x32768xf32>
    %jit3A = arith.constant 32768 : i32
    %broadcast_in_dim3A_81 = vector.broadcast %jit3A : i32 to vector<8x32768xi32>
    %select_n3A = arith.select %eq3A_80, %iota3A, %broadcast_in_dim3A_81 : vector<8x32768xi1>, vector<8x32768xi32>
    %reduce_min3A = arith.constant dense<2147483647> : vector<8xi32>
    %reduce_min3A_82 = vector.multi_reduction <minsi>, %select_n3A, %reduce_min3A [1] : vector<8x32768xi32> to vector<8xi32>
    %broadcast_in_dim3A_83 = vector.shape_cast %reduce_min3A_82 : vector<8xi32> to vector<8x1xi32>
    %eq3A_84 = vector.broadcast %broadcast_in_dim3A_83 : vector<8x1xi32> to vector<8x32768xi32>
    %eq3A_85 = arith.cmpi eq, %iota3A, %eq3A_84 : vector<8x32768xi32>
    %jit3A_86 = arith.constant 0xFF800000 : f32
    %broadcast_in_dim3A_87 = vector.broadcast %jit3A_86 : f32 to vector<8x32768xf32>
    %select_n3A_88 = arith.select %eq3A_85, %broadcast_in_dim3A_87, %get3A_77 : vector<8x32768xi1>, vector<8x32768xf32>
    %swap3A_89 = arith.constant 0 : index
    %swap3A_90 = arith.constant 0 : index
    %swap3A_91 = vector.load %arg5[%swap3A_89, %swap3A_90] : memref<8x32768xf32, #tpu.memory_space<vmem>>, vector<8x32768xf32>
    tpu.vector_store %arg5[%swap3A_89, %swap3A_90], %select_n3A_88 {strides = array<i32>} : memref<8x32768xf32, #tpu.memory_space<vmem>>, vector<8x32768xf32>,
    %get3A_92 = arith.constant 0 : index
    %get3A_93 = arith.constant 0 : index
    %get3A_94 = vector.load %arg5[%get3A_92, %get3A_93] : memref<8x32768xf32, #tpu.memory_space<vmem>>, vector<8x32768xf32>
    %reduce_max3A_95 = arith.constant dense<0xFF800000> : vector<8xf32>
    %reduce_max3A_96 = vector.multi_reduction <maximumf>, %get3A_94, %reduce_max3A_95 [1] : vector<8x32768xf32> to vector<8xf32>
    %broadcast_in_dim3A_97 = vector.shape_cast %reduce_max3A_96 : vector<8xf32> to vector<8x1xf32>
    %eq3A_98 = vector.broadcast %broadcast_in_dim3A_97 : vector<8x1xf32> to vector<8x32768xf32>
    %eq3A_99 = arith.cmpf oeq, %get3A_94, %eq3A_98 : vector<8x32768xf32>
    %jit3A_100 = arith.constant 32768 : i32
    %broadcast_in_dim3A_101 = vector.broadcast %jit3A_100 : i32 to vector<8x32768xi32>
    %select_n3A_102 = arith.select %eq3A_99, %iota3A, %broadcast_in_dim3A_101 : vector<8x32768xi1>, vector<8x32768xi32>
    %reduce_min3A_103 = arith.constant dense<2147483647> : vector<8xi32>
    %reduce_min3A_104 = vector.multi_reduction <minsi>, %select_n3A_102, %reduce_min3A_103 [1] : vector<8x32768xi32> to vector<8xi32>
    %broadcast_in_dim3A_105 = vector.shape_cast %reduce_min3A_104 : vector<8xi32> to vector<8x1xi32>
    %eq3A_106 = vector.broadcast %broadcast_in_dim3A_105 : vector<8x1xi32> to vector<8x32768xi32>
    %eq3A_107 = arith.cmpi eq, %iota3A, %eq3A_106 : vector<8x32768xi32>
    %jit3A_108 = arith.constant 0xFF800000 : f32
    %broadcast_in_dim3A_109 = vector.broadcast %jit3A_108 : f32 to vector<8x32768xf32>
    %select_n3A_110 = arith.select %eq3A_107, %broadcast_in_dim3A_109, %get3A_94 : vector<8x32768xi1>, vector<8x32768xf32>
    %swap3A_111 = arith.constant 0 : index
    %swap3A_112 = arith.constant 0 : index
    %swap3A_113 = vector.load %arg5[%swap3A_111, %swap3A_112] : memref<8x32768xf32, #tpu.memory_space<vmem>>, vector<8x32768xf32>
    tpu.vector_store %arg5[%swap3A_111, %swap3A_112], %select_n3A_110 {strides = array<i32>} : memref<8x32768xf32, #tpu.memory_space<vmem>>, vector<8x32768xf32>,
    %get3A_114 = arith.constant 0 : index
    %get3A_115 = arith.constant 0 : index
    %get3A_116 = vector.load %arg5[%get3A_114, %get3A_115] : memref<8x32768xf32, #tpu.memory_space<vmem>>, vector<8x32768xf32>
    %reduce_max3A_117 = arith.constant dense<0xFF800000> : vector<8xf32>
    %reduce_max3A_118 = vector.multi_reduction <maximumf>, %get3A_116, %reduce_max3A_117 [1] : vector<8x32768xf32> to vector<8xf32>
    %broadcast_in_dim3A_119 = vector.shape_cast %reduce_max3A_118 : vector<8xf32> to vector<8x1xf32>
    %eq3A_120 = vector.broadcast %broadcast_in_dim3A_119 : vector<8x1xf32> to vector<8x32768xf32>
    %eq3A_121 = arith.cmpf oeq, %get3A_116, %eq3A_120 : vector<8x32768xf32>
    %jit3A_122 = arith.constant 32768 : i32
    %broadcast_in_dim3A_123 = vector.broadcast %jit3A_122 : i32 to vector<8x32768xi32>
    %select_n3A_124 = arith.select %eq3A_121, %iota3A, %broadcast_in_dim3A_123 : vector<8x32768xi1>, vector<8x32768xi32>
    %reduce_min3A_125 = arith.constant dense<2147483647> : vector<8xi32>
    %reduce_min3A_126 = vector.multi_reduction <minsi>, %select_n3A_124, %reduce_min3A_125 [1] : vector<8x32768xi32> to vector<8xi32>
    %broadcast_in_dim3A_127 = vector.shape_cast %reduce_min3A_126 : vector<8xi32> to vector<8x1xi32>
    %eq3A_128 = vector.broadcast %broadcast_in_dim3A_127 : vector<8x1xi32> to vector<8x32768xi32>
    %eq3A_129 = arith.cmpi eq, %iota3A, %eq3A_128 : vector<8x32768xi32>
    %jit3A_130 = arith.constant 0xFF800000 : f32
    %broadcast_in_dim3A_131 = vector.broadcast %jit3A_130 : f32 to vector<8x32768xf32>
    %select_n3A_132 = arith.select %eq3A_129, %broadcast_in_dim3A_131, %get3A_116 : vector<8x32768xi1>, vector<8x32768xf32>
    %swap3A_133 = arith.constant 0 : index
    %swap3A_134 = arith.constant 0 : index
    %swap3A_135 = vector.load %arg5[%swap3A_133, %swap3A_134] : memref<8x32768xf32, #tpu.memory_space<vmem>>, vector<8x32768xf32>
    tpu.vector_store %arg5[%swap3A_133, %swap3A_134], %select_n3A_132 {strides = array<i32>} : memref<8x32768xf32, #tpu.memory_space<vmem>>, vector<8x32768xf32>,
    %get3A_136 = arith.constant 0 : index
    %get3A_137 = arith.constant 0 : index
    %get3A_138 = vector.load %arg5[%get3A_136, %get3A_137] : memref<8x32768xf32, #tpu.memory_space<vmem>>, vector<8x32768xf32>
    %reduce_max3A_139 = arith.constant dense<0xFF800000> : vector<8xf32>
    %reduce_max3A_140 = vector.multi_reduction <maximumf>, %get3A_138, %reduce_max3A_139 [1] : vector<8x32768xf32> to vector<8xf32>
    %broadcast_in_dim3A_141 = vector.shape_cast %reduce_max3A_140 : vector<8xf32> to vector<8x1xf32>
    %eq3A_142 = vector.broadcast %broadcast_in_dim3A_141 : vector<8x1xf32> to vector<8x32768xf32>
    %eq3A_143 = arith.cmpf oeq, %get3A_138, %eq3A_142 : vector<8x32768xf32>
    %jit3A_144 = arith.constant 32768 : i32
    %broadcast_in_dim3A_145 = vector.broadcast %jit3A_144 : i32 to vector<8x32768xi32>
    %select_n3A_146 = arith.select %eq3A_143, %iota3A, %broadcast_in_dim3A_145 : vector<8x32768xi1>, vector<8x32768xi32>
    %reduce_min3A_147 = arith.constant dense<2147483647> : vector<8xi32>
    %reduce_min3A_148 = vector.multi_reduction <minsi>, %select_n3A_146, %reduce_min3A_147 [1] : vector<8x32768xi32> to vector<8xi32>
    %broadcast_in_dim3A_149 = vector.shape_cast %reduce_min3A_148 : vector<8xi32> to vector<8x1xi32>
    %eq3A_150 = vector.broadcast %broadcast_in_dim3A_149 : vector<8x1xi32> to vector<8x32768xi32>
    %eq3A_151 = arith.cmpi eq, %iota3A, %eq3A_150 : vector<8x32768xi32>
    %jit3A_152 = arith.constant 0xFF800000 : f32
    %broadcast_in_dim3A_153 = vector.broadcast %jit3A_152 : f32 to vector<8x32768xf32>
    %select_n3A_154 = arith.select %eq3A_151, %broadcast_in_dim3A_153, %get3A_138 : vector<8x32768xi1>, vector<8x32768xf32>
    %swap3A_155 = arith.constant 0 : index
    %swap3A_156 = arith.constant 0 : index
    %swap3A_157 = vector.load %arg5[%swap3A_155, %swap3A_156] : memref<8x32768xf32, #tpu.memory_space<vmem>>, vector<8x32768xf32>
    tpu.vector_store %arg5[%swap3A_155, %swap3A_156], %select_n3A_154 {strides = array<i32>} : memref<8x32768xf32, #tpu.memory_space<vmem>>, vector<8x32768xf32>,
    %get3A_158 = arith.constant 0 : index
    %get3A_159 = arith.constant 0 : index
    %get3A_160 = vector.load %arg5[%get3A_158, %get3A_159] : memref<8x32768xf32, #tpu.memory_space<vmem>>, vector<8x32768xf32>
    %reduce_max3A_161 = arith.constant dense<0xFF800000> : vector<8xf32>
    %reduce_max3A_162 = vector.multi_reduction <maximumf>, %get3A_160, %reduce_max3A_161 [1] : vector<8x32768xf32> to vector<8xf32>
    %broadcast_in_dim3A_163 = vector.shape_cast %reduce_max3A_162 : vector<8xf32> to vector<8x1xf32>
    %eq3A_164 = vector.broadcast %broadcast_in_dim3A_163 : vector<8x1xf32> to vector<8x32768xf32>
    %eq3A_165 = arith.cmpf oeq, %get3A_160, %eq3A_164 : vector<8x32768xf32>
    %jit3A_166 = arith.constant 32768 : i32
    %broadcast_in_dim3A_167 = vector.broadcast %jit3A_166 : i32 to vector<8x32768xi32>
    %select_n3A_168 = arith.select %eq3A_165, %iota3A, %broadcast_in_dim3A_167 : vector<8x32768xi1>, vector<8x32768xi32>
    %reduce_min3A_169 = arith.constant dense<2147483647> : vector<8xi32>
    %reduce_min3A_170 = vector.multi_reduction <minsi>, %select_n3A_168, %reduce_min3A_169 [1] : vector<8x32768xi32> to vector<8xi32>
    %broadcast_in_dim3A_171 = vector.shape_cast %reduce_min3A_170 : vector<8xi32> to vector<8x1xi32>
    %eq3A_172 = vector.broadcast %broadcast_in_dim3A_171 : vector<8x1xi32> to vector<8x32768xi32>
    %eq3A_173 = arith.cmpi eq, %iota3A, %eq3A_172 : vector<8x32768xi32>
    %jit3A_174 = arith.constant 0xFF800000 : f32
    %broadcast_in_dim3A_175 = vector.broadcast %jit3A_174 : f32 to vector<8x32768xf32>
    %select_n3A_176 = arith.select %eq3A_173, %broadcast_in_dim3A_175, %get3A_160 : vector<8x32768xi1>, vector<8x32768xf32>
    %swap3A_177 = arith.constant 0 : index
    %swap3A_178 = arith.constant 0 : index
    %swap3A_179 = vector.load %arg5[%swap3A_177, %swap3A_178] : memref<8x32768xf32, #tpu.memory_space<vmem>>, vector<8x32768xf32>
    tpu.vector_store %arg5[%swap3A_177, %swap3A_178], %select_n3A_176 {strides = array<i32>} : memref<8x32768xf32, #tpu.memory_space<vmem>>, vector<8x32768xf32>,
    %get3A_180 = arith.constant 0 : index
    %get3A_181 = arith.constant 0 : index
    %get3A_182 = vector.load %arg5[%get3A_180, %get3A_181] : memref<8x32768xf32, #tpu.memory_space<vmem>>, vector<8x32768xf32>
    %reduce_max3A_183 = arith.constant dense<0xFF800000> : vector<8xf32>
    %reduce_max3A_184 = vector.multi_reduction <maximumf>, %get3A_182, %reduce_max3A_183 [1] : vector<8x32768xf32> to vector<8xf32>
    %broadcast_in_dim3A_185 = vector.shape_cast %reduce_max3A_184 : vector<8xf32> to vector<8x1xf32>
    %eq3A_186 = vector.broadcast %broadcast_in_dim3A_185 : vector<8x1xf32> to vector<8x32768xf32>
    %eq3A_187 = arith.cmpf oeq, %get3A_182, %eq3A_186 : vector<8x32768xf32>
    %jit3A_188 = arith.constant 32768 : i32
    %broadcast_in_dim3A_189 = vector.broadcast %jit3A_188 : i32 to vector<8x32768xi32>
    %select_n3A_190 = arith.select %eq3A_187, %iota3A, %broadcast_in_dim3A_189 : vector<8x32768xi1>, vector<8x32768xi32>
    %reduce_min3A_191 = arith.constant dense<2147483647> : vector<8xi32>
    %reduce_min3A_192 = vector.multi_reduction <minsi>, %select_n3A_190, %reduce_min3A_191 [1] : vector<8x32768xi32> to vector<8xi32>
    %broadcast_in_dim3A_193 = vector.shape_cast %reduce_min3A_192 : vector<8xi32> to vector<8x1xi32>
    %eq3A_194 = vector.broadcast %broadcast_in_dim3A_193 : vector<8x1xi32> to vector<8x32768xi32>
    %eq3A_195 = arith.cmpi eq, %iota3A, %eq3A_194 : vector<8x32768xi32>
    %jit3A_196 = arith.constant 0xFF800000 : f32
    %broadcast_in_dim3A_197 = vector.broadcast %jit3A_196 : f32 to vector<8x32768xf32>
    %select_n3A_198 = arith.select %eq3A_195, %broadcast_in_dim3A_197, %get3A_182 : vector<8x32768xi1>, vector<8x32768xf32>
    %swap3A_199 = arith.constant 0 : index
    %swap3A_200 = arith.constant 0 : index
    %swap3A_201 = vector.load %arg5[%swap3A_199, %swap3A_200] : memref<8x32768xf32, #tpu.memory_space<vmem>>, vector<8x32768xf32>
    tpu.vector_store %arg5[%swap3A_199, %swap3A_200], %select_n3A_198 {strides = array<i32>} : memref<8x32768xf32, #tpu.memory_space<vmem>>, vector<8x32768xf32>,
    %get3A_202 = arith.constant 0 : index
    %get3A_203 = arith.constant 0 : index
    %get3A_204 = vector.load %arg5[%get3A_202, %get3A_203] : memref<8x32768xf32, #tpu.memory_space<vmem>>, vector<8x32768xf32>
    %reduce_max3A_205 = arith.constant dense<0xFF800000> : vector<8xf32>
    %reduce_max3A_206 = vector.multi_reduction <maximumf>, %get3A_204, %reduce_max3A_205 [1] : vector<8x32768xf32> to vector<8xf32>
    %broadcast_in_dim3A_207 = vector.shape_cast %reduce_max3A_206 : vector<8xf32> to vector<8x1xf32>
    %eq3A_208 = vector.broadcast %broadcast_in_dim3A_207 : vector<8x1xf32> to vector<8x32768xf32>
    %eq3A_209 = arith.cmpf oeq, %get3A_204, %eq3A_208 : vector<8x32768xf32>
    %jit3A_210 = arith.constant 32768 : i32
    %broadcast_in_dim3A_211 = vector.broadcast %jit3A_210 : i32 to vector<8x32768xi32>
    %select_n3A_212 = arith.select %eq3A_209, %iota3A, %broadcast_in_dim3A_211 : vector<8x32768xi1>, vector<8x32768xi32>
    %reduce_min3A_213 = arith.constant dense<2147483647> : vector<8xi32>
    %reduce_min3A_214 = vector.multi_reduction <minsi>, %select_n3A_212, %reduce_min3A_213 [1] : vector<8x32768xi32> to vector<8xi32>
    %broadcast_in_dim3A_215 = vector.shape_cast %reduce_min3A_214 : vector<8xi32> to vector<8x1xi32>
    %eq3A_216 = vector.broadcast %broadcast_in_dim3A_215 : vector<8x1xi32> to vector<8x32768xi32>
    %eq3A_217 = arith.cmpi eq, %iota3A, %eq3A_216 : vector<8x32768xi32>
    %jit3A_218 = arith.constant 0xFF800000 : f32
    %broadcast_in_dim3A_219 = vector.broadcast %jit3A_218 : f32 to vector<8x32768xf32>
    %select_n3A_220 = arith.select %eq3A_217, %broadcast_in_dim3A_219, %get3A_204 : vector<8x32768xi1>, vector<8x32768xf32>
    %swap3A_221 = arith.constant 0 : index
    %swap3A_222 = arith.constant 0 : index
    %swap3A_223 = vector.load %arg5[%swap3A_221, %swap3A_222] : memref<8x32768xf32, #tpu.memory_space<vmem>>, vector<8x32768xf32>
    tpu.vector_store %arg5[%swap3A_221, %swap3A_222], %select_n3A_220 {strides = array<i32>} : memref<8x32768xf32, #tpu.memory_space<vmem>>, vector<8x32768xf32>,
    %get3A_224 = arith.constant 0 : index
    %get3A_225 = arith.constant 0 : index
    %get3A_226 = vector.load %arg5[%get3A_224, %get3A_225] : memref<8x32768xf32, #tpu.memory_space<vmem>>, vector<8x32768xf32>
    %reduce_max3A_227 = arith.constant dense<0xFF800000> : vector<8xf32>
    %reduce_max3A_228 = vector.multi_reduction <maximumf>, %get3A_226, %reduce_max3A_227 [1] : vector<8x32768xf32> to vector<8xf32>
    %broadcast_in_dim3A_229 = vector.shape_cast %reduce_max3A_228 : vector<8xf32> to vector<8x1xf32>
    %eq3A_230 = vector.broadcast %broadcast_in_dim3A_229 : vector<8x1xf32> to vector<8x32768xf32>
    %eq3A_231 = arith.cmpf oeq, %get3A_226, %eq3A_230 : vector<8x32768xf32>
    %jit3A_232 = arith.constant 32768 : i32
    %broadcast_in_dim3A_233 = vector.broadcast %jit3A_232 : i32 to vector<8x32768xi32>
    %select_n3A_234 = arith.select %eq3A_231, %iota3A, %broadcast_in_dim3A_233 : vector<8x32768xi1>, vector<8x32768xi32>
    %reduce_min3A_235 = arith.constant dense<2147483647> : vector<8xi32>
    %reduce_min3A_236 = vector.multi_reduction <minsi>, %select_n3A_234, %reduce_min3A_235 [1] : vector<8x32768xi32> to vector<8xi32>
    %broadcast_in_dim3A_237 = vector.shape_cast %reduce_min3A_236 : vector<8xi32> to vector<8x1xi32>
    %eq3A_238 = vector.broadcast %broadcast_in_dim3A_237 : vector<8x1xi32> to vector<8x32768xi32>
    %eq3A_239 = arith.cmpi eq, %iota3A, %eq3A_238 : vector<8x32768xi32>
    %jit3A_240 = arith.constant 0xFF800000 : f32
    %broadcast_in_dim3A_241 = vector.broadcast %jit3A_240 : f32 to vector<8x32768xf32>
    %select_n3A_242 = arith.select %eq3A_239, %broadcast_in_dim3A_241, %get3A_226 : vector<8x32768xi1>, vector<8x32768xf32>
    %swap3A_243 = arith.constant 0 : index
    %swap3A_244 = arith.constant 0 : index
    %swap3A_245 = vector.load %arg5[%swap3A_243, %swap3A_244] : memref<8x32768xf32, #tpu.memory_space<vmem>>, vector<8x32768xf32>
    tpu.vector_store %arg5[%swap3A_243, %swap3A_244], %select_n3A_242 {strides = array<i32>} : memref<8x32768xf32, #tpu.memory_space<vmem>>, vector<8x32768xf32>,
    %get3A_246 = arith.constant 0 : index
    %get3A_247 = arith.constant 0 : index
    %get3A_248 = vector.load %arg5[%get3A_246, %get3A_247] : memref<8x32768xf32, #tpu.memory_space<vmem>>, vector<8x32768xf32>
    %reduce_max3A_249 = arith.constant dense<0xFF800000> : vector<8xf32>
    %reduce_max3A_250 = vector.multi_reduction <maximumf>, %get3A_248, %reduce_max3A_249 [1] : vector<8x32768xf32> to vector<8xf32>
    %broadcast_in_dim3A_251 = vector.shape_cast %reduce_max3A_250 : vector<8xf32> to vector<8x1xf32>
    %eq3A_252 = vector.broadcast %broadcast_in_dim3A_251 : vector<8x1xf32> to vector<8x32768xf32>
    %eq3A_253 = arith.cmpf oeq, %get3A_248, %eq3A_252 : vector<8x32768xf32>
    %jit3A_254 = arith.constant 32768 : i32
    %broadcast_in_dim3A_255 = vector.broadcast %jit3A_254 : i32 to vector<8x32768xi32>
    %select_n3A_256 = arith.select %eq3A_253, %iota3A, %broadcast_in_dim3A_255 : vector<8x32768xi1>, vector<8x32768xi32>
    %reduce_min3A_257 = arith.constant dense<2147483647> : vector<8xi32>
    %reduce_min3A_258 = vector.multi_reduction <minsi>, %select_n3A_256, %reduce_min3A_257 [1] : vector<8x32768xi32> to vector<8xi32>
    %broadcast_in_dim3A_259 = vector.shape_cast %reduce_min3A_258 : vector<8xi32> to vector<8x1xi32>
    %eq3A_260 = vector.broadcast %broadcast_in_dim3A_259 : vector<8x1xi32> to vector<8x32768xi32>
    %eq3A_261 = arith.cmpi eq, %iota3A, %eq3A_260 : vector<8x32768xi32>
    %jit3A_262 = arith.constant 0xFF800000 : f32
    %broadcast_in_dim3A_263 = vector.broadcast %jit3A_262 : f32 to vector<8x32768xf32>
    %select_n3A_264 = arith.select %eq3A_261, %broadcast_in_dim3A_263, %get3A_248 : vector<8x32768xi1>, vector<8x32768xf32>
    %swap3A_265 = arith.constant 0 : index
    %swap3A_266 = arith.constant 0 : index
    %swap3A_267 = vector.load %arg5[%swap3A_265, %swap3A_266] : memref<8x32768xf32, #tpu.memory_space<vmem>>, vector<8x32768xf32>
    tpu.vector_store %arg5[%swap3A_265, %swap3A_266], %select_n3A_264 {strides = array<i32>} : memref<8x32768xf32, #tpu.memory_space<vmem>>, vector<8x32768xf32>,
    %get3A_268 = arith.constant 0 : index
    %get3A_269 = arith.constant 0 : index
    %get3A_270 = vector.load %arg5[%get3A_268, %get3A_269] : memref<8x32768xf32, #tpu.memory_space<vmem>>, vector<8x32768xf32>
    %reduce_max3A_271 = arith.constant dense<0xFF800000> : vector<8xf32>
    %reduce_max3A_272 = vector.multi_reduction <maximumf>, %get3A_270, %reduce_max3A_271 [1] : vector<8x32768xf32> to vector<8xf32>
    %broadcast_in_dim3A_273 = vector.shape_cast %reduce_max3A_272 : vector<8xf32> to vector<8x1xf32>
    %eq3A_274 = vector.broadcast %broadcast_in_dim3A_273 : vector<8x1xf32> to vector<8x32768xf32>
    %eq3A_275 = arith.cmpf oeq, %get3A_270, %eq3A_274 : vector<8x32768xf32>
    %jit3A_276 = arith.constant 32768 : i32
    %broadcast_in_dim3A_277 = vector.broadcast %jit3A_276 : i32 to vector<8x32768xi32>
    %select_n3A_278 = arith.select %eq3A_275, %iota3A, %broadcast_in_dim3A_277 : vector<8x32768xi1>, vector<8x32768xi32>
    %reduce_min3A_279 = arith.constant dense<2147483647> : vector<8xi32>
    %reduce_min3A_280 = vector.multi_reduction <minsi>, %select_n3A_278, %reduce_min3A_279 [1] : vector<8x32768xi32> to vector<8xi32>
    %broadcast_in_dim3A_281 = vector.shape_cast %reduce_min3A_280 : vector<8xi32> to vector<8x1xi32>
    %eq3A_282 = vector.broadcast %broadcast_in_dim3A_281 : vector<8x1xi32> to vector<8x32768xi32>
    %eq3A_283 = arith.cmpi eq, %iota3A, %eq3A_282 : vector<8x32768xi32>
    %jit3A_284 = arith.constant 0xFF800000 : f32
    %broadcast_in_dim3A_285 = vector.broadcast %jit3A_284 : f32 to vector<8x32768xf32>
    %select_n3A_286 = arith.select %eq3A_283, %broadcast_in_dim3A_285, %get3A_270 : vector<8x32768xi1>, vector<8x32768xf32>
    %swap3A_287 = arith.constant 0 : index
    %swap3A_288 = arith.constant 0 : index
    %swap3A_289 = vector.load %arg5[%swap3A_287, %swap3A_288] : memref<8x32768xf32, #tpu.memory_space<vmem>>, vector<8x32768xf32>
    tpu.vector_store %arg5[%swap3A_287, %swap3A_288], %select_n3A_286 {strides = array<i32>} : memref<8x32768xf32, #tpu.memory_space<vmem>>, vector<8x32768xf32>,
    %broadcast_in_dim3A_290 = arith.constant 0 : i32
    %broadcast_in_dim3A_291 = vector.broadcast %broadcast_in_dim3A_290 : i32 to vector<8x1xi32>
    %lt3A = arith.cmpi slt, %broadcast_in_dim3A_105, %broadcast_in_dim3A_83 : vector<8x1xi32>
    %convert_element_type3A_292 = arith.extui %lt3A : vector<8x1xi1> to vector<8x1xi32>
    %add3A_293 = arith.addi %broadcast_in_dim3A_291, %convert_element_type3A_292 : vector<8x1xi32>
    %lt3A_294 = arith.cmpi slt, %broadcast_in_dim3A_127, %broadcast_in_dim3A_83 : vector<8x1xi32>
    %convert_element_type3A_295 = arith.extui %lt3A_294 : vector<8x1xi1> to vector<8x1xi32>
    %add3A_296 = arith.addi %add3A_293, %convert_element_type3A_295 : vector<8x1xi32>
    %lt3A_297 = arith.cmpi slt, %broadcast_in_dim3A_149, %broadcast_in_dim3A_83 : vector<8x1xi32>
    %convert_element_type3A_298 = arith.extui %lt3A_297 : vector<8x1xi1> to vector<8x1xi32>
    %add3A_299 = arith.addi %add3A_296, %convert_element_type3A_298 : vector<8x1xi32>
    %lt3A_300 = arith.cmpi slt, %broadcast_in_dim3A_171, %broadcast_in_dim3A_83 : vector<8x1xi32>
    %convert_element_type3A_301 = arith.extui %lt3A_300 : vector<8x1xi1> to vector<8x1xi32>
    %add3A_302 = arith.addi %add3A_299, %convert_element_type3A_301 : vector<8x1xi32>
    %lt3A_303 = arith.cmpi slt, %broadcast_in_dim3A_193, %broadcast_in_dim3A_83 : vector<8x1xi32>
    %convert_element_type3A_304 = arith.extui %lt3A_303 : vector<8x1xi1> to vector<8x1xi32>
    %add3A_305 = arith.addi %add3A_302, %convert_element_type3A_304 : vector<8x1xi32>
    %lt3A_306 = arith.cmpi slt, %broadcast_in_dim3A_215, %broadcast_in_dim3A_83 : vector<8x1xi32>
    %convert_element_type3A_307 = arith.extui %lt3A_306 : vector<8x1xi1> to vector<8x1xi32>
    %add3A_308 = arith.addi %add3A_305, %convert_element_type3A_307 : vector<8x1xi32>
    %lt3A_309 = arith.cmpi slt, %broadcast_in_dim3A_237, %broadcast_in_dim3A_83 : vector<8x1xi32>
    %convert_element_type3A_310 = arith.extui %lt3A_309 : vector<8x1xi1> to vector<8x1xi32>
    %add3A_311 = arith.addi %add3A_308, %convert_element_type3A_310 : vector<8x1xi32>
    %lt3A_312 = arith.cmpi slt, %broadcast_in_dim3A_259, %broadcast_in_dim3A_83 : vector<8x1xi32>
    %convert_element_type3A_313 = arith.extui %lt3A_312 : vector<8x1xi1> to vector<8x1xi32>
    %add3A_314 = arith.addi %add3A_311, %convert_element_type3A_313 : vector<8x1xi32>
    %lt3A_315 = arith.cmpi slt, %broadcast_in_dim3A_281, %broadcast_in_dim3A_83 : vector<8x1xi32>
    %convert_element_type3A_316 = arith.extui %lt3A_315 : vector<8x1xi1> to vector<8x1xi32>
    %add3A_317 = arith.addi %add3A_314, %convert_element_type3A_316 : vector<8x1xi32>
    %mul3A_318 = arith.constant 10 : i32
    %mul3A_319 = vector.broadcast %mul3A_318 : i32 to vector<8x1xi32>
    %mul3A_320 = arith.muli %broadcast_in_dim3A_83, %mul3A_319 : vector<8x1xi32>
    %add3A_321 = arith.addi %mul3A_320, %add3A_317 : vector<8x1xi32>
    %broadcast_in_dim3A_322 = arith.constant 0 : i32
    %broadcast_in_dim3A_323 = vector.broadcast %broadcast_in_dim3A_322 : i32 to vector<8x1xi32>
    %lt3A_324 = arith.cmpi slt, %broadcast_in_dim3A_83, %broadcast_in_dim3A_105 : vector<8x1xi32>
    %convert_element_type3A_325 = arith.extui %lt3A_324 : vector<8x1xi1> to vector<8x1xi32>
    %add3A_326 = arith.addi %broadcast_in_dim3A_323, %convert_element_type3A_325 : vector<8x1xi32>
    %lt3A_327 = arith.cmpi slt, %broadcast_in_dim3A_127, %broadcast_in_dim3A_105 : vector<8x1xi32>
    %convert_element_type3A_328 = arith.extui %lt3A_327 : vector<8x1xi1> to vector<8x1xi32>
    %add3A_329 = arith.addi %add3A_326, %convert_element_type3A_328 : vector<8x1xi32>
    %lt3A_330 = arith.cmpi slt, %broadcast_in_dim3A_149, %broadcast_in_dim3A_105 : vector<8x1xi32>
    %convert_element_type3A_331 = arith.extui %lt3A_330 : vector<8x1xi1> to vector<8x1xi32>
    %add3A_332 = arith.addi %add3A_329, %convert_element_type3A_331 : vector<8x1xi32>
    %lt3A_333 = arith.cmpi slt, %broadcast_in_dim3A_171, %broadcast_in_dim3A_105 : vector<8x1xi32>
    %convert_element_type3A_334 = arith.extui %lt3A_333 : vector<8x1xi1> to vector<8x1xi32>
    %add3A_335 = arith.addi %add3A_332, %convert_element_type3A_334 : vector<8x1xi32>
    %lt3A_336 = arith.cmpi slt, %broadcast_in_dim3A_193, %broadcast_in_dim3A_105 : vector<8x1xi32>
    %convert_element_type3A_337 = arith.extui %lt3A_336 : vector<8x1xi1> to vector<8x1xi32>
    %add3A_338 = arith.addi %add3A_335, %convert_element_type3A_337 : vector<8x1xi32>
    %lt3A_339 = arith.cmpi slt, %broadcast_in_dim3A_215, %broadcast_in_dim3A_105 : vector<8x1xi32>
    %convert_element_type3A_340 = arith.extui %lt3A_339 : vector<8x1xi1> to vector<8x1xi32>
    %add3A_341 = arith.addi %add3A_338, %convert_element_type3A_340 : vector<8x1xi32>
    %lt3A_342 = arith.cmpi slt, %broadcast_in_dim3A_237, %broadcast_in_dim3A_105 : vector<8x1xi32>
    %convert_element_type3A_343 = arith.extui %lt3A_342 : vector<8x1xi1> to vector<8x1xi32>
    %add3A_344 = arith.addi %add3A_341, %convert_element_type3A_343 : vector<8x1xi32>
    %lt3A_345 = arith.cmpi slt, %broadcast_in_dim3A_259, %broadcast_in_dim3A_105 : vector<8x1xi32>
    %convert_element_type3A_346 = arith.extui %lt3A_345 : vector<8x1xi1> to vector<8x1xi32>
    %add3A_347 = arith.addi %add3A_344, %convert_element_type3A_346 : vector<8x1xi32>
    %lt3A_348 = arith.cmpi slt, %broadcast_in_dim3A_281, %broadcast_in_dim3A_105 : vector<8x1xi32>
    %convert_element_type3A_349 = arith.extui %lt3A_348 : vector<8x1xi1> to vector<8x1xi32>
    %add3A_350 = arith.addi %add3A_347, %convert_element_type3A_349 : vector<8x1xi32>
    %mul3A_351 = arith.constant 10 : i32
    %mul3A_352 = vector.broadcast %mul3A_351 : i32 to vector<8x1xi32>
    %mul3A_353 = arith.muli %broadcast_in_dim3A_105, %mul3A_352 : vector<8x1xi32>
    %add3A_354 = arith.addi %mul3A_353, %add3A_350 : vector<8x1xi32>
    %broadcast_in_dim3A_355 = arith.constant 0 : i32
    %broadcast_in_dim3A_356 = vector.broadcast %broadcast_in_dim3A_355 : i32 to vector<8x1xi32>
    %lt3A_357 = arith.cmpi slt, %broadcast_in_dim3A_83, %broadcast_in_dim3A_127 : vector<8x1xi32>
    %convert_element_type3A_358 = arith.extui %lt3A_357 : vector<8x1xi1> to vector<8x1xi32>
    %add3A_359 = arith.addi %broadcast_in_dim3A_356, %convert_element_type3A_358 : vector<8x1xi32>
    %lt3A_360 = arith.cmpi slt, %broadcast_in_dim3A_105, %broadcast_in_dim3A_127 : vector<8x1xi32>
    %convert_element_type3A_361 = arith.extui %lt3A_360 : vector<8x1xi1> to vector<8x1xi32>
    %add3A_362 = arith.addi %add3A_359, %convert_element_type3A_361 : vector<8x1xi32>
    %lt3A_363 = arith.cmpi slt, %broadcast_in_dim3A_149, %broadcast_in_dim3A_127 : vector<8x1xi32>
    %convert_element_type3A_364 = arith.extui %lt3A_363 : vector<8x1xi1> to vector<8x1xi32>
    %add3A_365 = arith.addi %add3A_362, %convert_element_type3A_364 : vector<8x1xi32>
    %lt3A_366 = arith.cmpi slt, %broadcast_in_dim3A_171, %broadcast_in_dim3A_127 : vector<8x1xi32>
    %convert_element_type3A_367 = arith.extui %lt3A_366 : vector<8x1xi1> to vector<8x1xi32>
    %add3A_368 = arith.addi %add3A_365, %convert_element_type3A_367 : vector<8x1xi32>
    %lt3A_369 = arith.cmpi slt, %broadcast_in_dim3A_193, %broadcast_in_dim3A_127 : vector<8x1xi32>
    %convert_element_type3A_370 = arith.extui %lt3A_369 : vector<8x1xi1> to vector<8x1xi32>
    %add3A_371 = arith.addi %add3A_368, %convert_element_type3A_370 : vector<8x1xi32>
    %lt3A_372 = arith.cmpi slt, %broadcast_in_dim3A_215, %broadcast_in_dim3A_127 : vector<8x1xi32>
    %convert_element_type3A_373 = arith.extui %lt3A_372 : vector<8x1xi1> to vector<8x1xi32>
    %add3A_374 = arith.addi %add3A_371, %convert_element_type3A_373 : vector<8x1xi32>
    %lt3A_375 = arith.cmpi slt, %broadcast_in_dim3A_237, %broadcast_in_dim3A_127 : vector<8x1xi32>
    %convert_element_type3A_376 = arith.extui %lt3A_375 : vector<8x1xi1> to vector<8x1xi32>
    %add3A_377 = arith.addi %add3A_374, %convert_element_type3A_376 : vector<8x1xi32>
    %lt3A_378 = arith.cmpi slt, %broadcast_in_dim3A_259, %broadcast_in_dim3A_127 : vector<8x1xi32>
    %convert_element_type3A_379 = arith.extui %lt3A_378 : vector<8x1xi1> to vector<8x1xi32>
    %add3A_380 = arith.addi %add3A_377, %convert_element_type3A_379 : vector<8x1xi32>
    %lt3A_381 = arith.cmpi slt, %broadcast_in_dim3A_281, %broadcast_in_dim3A_127 : vector<8x1xi32>
    %convert_element_type3A_382 = arith.extui %lt3A_381 : vector<8x1xi1> to vector<8x1xi32>
    %add3A_383 = arith.addi %add3A_380, %convert_element_type3A_382 : vector<8x1xi32>
    %mul3A_384 = arith.constant 10 : i32
    %mul3A_385 = vector.broadcast %mul3A_384 : i32 to vector<8x1xi32>
    %mul3A_386 = arith.muli %broadcast_in_dim3A_127, %mul3A_385 : vector<8x1xi32>
    %add3A_387 = arith.addi %mul3A_386, %add3A_383 : vector<8x1xi32>
    %broadcast_in_dim3A_388 = arith.constant 0 : i32
    %broadcast_in_dim3A_389 = vector.broadcast %broadcast_in_dim3A_388 : i32 to vector<8x1xi32>
    %lt3A_390 = arith.cmpi slt, %broadcast_in_dim3A_83, %broadcast_in_dim3A_149 : vector<8x1xi32>
    %convert_element_type3A_391 = arith.extui %lt3A_390 : vector<8x1xi1> to vector<8x1xi32>
    %add3A_392 = arith.addi %broadcast_in_dim3A_389, %convert_element_type3A_391 : vector<8x1xi32>
    %lt3A_393 = arith.cmpi slt, %broadcast_in_dim3A_105, %broadcast_in_dim3A_149 : vector<8x1xi32>
    %convert_element_type3A_394 = arith.extui %lt3A_393 : vector<8x1xi1> to vector<8x1xi32>
    %add3A_395 = arith.addi %add3A_392, %convert_element_type3A_394 : vector<8x1xi32>
    %lt3A_396 = arith.cmpi slt, %broadcast_in_dim3A_127, %broadcast_in_dim3A_149 : vector<8x1xi32>
    %convert_element_type3A_397 = arith.extui %lt3A_396 : vector<8x1xi1> to vector<8x1xi32>
    %add3A_398 = arith.addi %add3A_395, %convert_element_type3A_397 : vector<8x1xi32>
    %lt3A_399 = arith.cmpi slt, %broadcast_in_dim3A_171, %broadcast_in_dim3A_149 : vector<8x1xi32>
    %convert_element_type3A_400 = arith.extui %lt3A_399 : vector<8x1xi1> to vector<8x1xi32>
    %add3A_401 = arith.addi %add3A_398, %convert_element_type3A_400 : vector<8x1xi32>
    %lt3A_402 = arith.cmpi slt, %broadcast_in_dim3A_193, %broadcast_in_dim3A_149 : vector<8x1xi32>
    %convert_element_type3A_403 = arith.extui %lt3A_402 : vector<8x1xi1> to vector<8x1xi32>
    %add3A_404 = arith.addi %add3A_401, %convert_element_type3A_403 : vector<8x1xi32>
    %lt3A_405 = arith.cmpi slt, %broadcast_in_dim3A_215, %broadcast_in_dim3A_149 : vector<8x1xi32>
    %convert_element_type3A_406 = arith.extui %lt3A_405 : vector<8x1xi1> to vector<8x1xi32>
    %add3A_407 = arith.addi %add3A_404, %convert_element_type3A_406 : vector<8x1xi32>
    %lt3A_408 = arith.cmpi slt, %broadcast_in_dim3A_237, %broadcast_in_dim3A_149 : vector<8x1xi32>
    %convert_element_type3A_409 = arith.extui %lt3A_408 : vector<8x1xi1> to vector<8x1xi32>
    %add3A_410 = arith.addi %add3A_407, %convert_element_type3A_409 : vector<8x1xi32>
    %lt3A_411 = arith.cmpi slt, %broadcast_in_dim3A_259, %broadcast_in_dim3A_149 : vector<8x1xi32>
    %convert_element_type3A_412 = arith.extui %lt3A_411 : vector<8x1xi1> to vector<8x1xi32>
    %add3A_413 = arith.addi %add3A_410, %convert_element_type3A_412 : vector<8x1xi32>
    %lt3A_414 = arith.cmpi slt, %broadcast_in_dim3A_281, %broadcast_in_dim3A_149 : vector<8x1xi32>
    %convert_element_type3A_415 = arith.extui %lt3A_414 : vector<8x1xi1> to vector<8x1xi32>
    %add3A_416 = arith.addi %add3A_413, %convert_element_type3A_415 : vector<8x1xi32>
    %mul3A_417 = arith.constant 10 : i32
    %mul3A_418 = vector.broadcast %mul3A_417 : i32 to vector<8x1xi32>
    %mul3A_419 = arith.muli %broadcast_in_dim3A_149, %mul3A_418 : vector<8x1xi32>
    %add3A_420 = arith.addi %mul3A_419, %add3A_416 : vector<8x1xi32>
    %broadcast_in_dim3A_421 = arith.constant 0 : i32
    %broadcast_in_dim3A_422 = vector.broadcast %broadcast_in_dim3A_421 : i32 to vector<8x1xi32>
    %lt3A_423 = arith.cmpi slt, %broadcast_in_dim3A_83, %broadcast_in_dim3A_171 : vector<8x1xi32>
    %convert_element_type3A_424 = arith.extui %lt3A_423 : vector<8x1xi1> to vector<8x1xi32>
    %add3A_425 = arith.addi %broadcast_in_dim3A_422, %convert_element_type3A_424 : vector<8x1xi32>
    %lt3A_426 = arith.cmpi slt, %broadcast_in_dim3A_105, %broadcast_in_dim3A_171 : vector<8x1xi32>
    %convert_element_type3A_427 = arith.extui %lt3A_426 : vector<8x1xi1> to vector<8x1xi32>
    %add3A_428 = arith.addi %add3A_425, %convert_element_type3A_427 : vector<8x1xi32>
    %lt3A_429 = arith.cmpi slt, %broadcast_in_dim3A_127, %broadcast_in_dim3A_171 : vector<8x1xi32>
    %convert_element_type3A_430 = arith.extui %lt3A_429 : vector<8x1xi1> to vector<8x1xi32>
    %add3A_431 = arith.addi %add3A_428, %convert_element_type3A_430 : vector<8x1xi32>
    %lt3A_432 = arith.cmpi slt, %broadcast_in_dim3A_149, %broadcast_in_dim3A_171 : vector<8x1xi32>
    %convert_element_type3A_433 = arith.extui %lt3A_432 : vector<8x1xi1> to vector<8x1xi32>
    %add3A_434 = arith.addi %add3A_431, %convert_element_type3A_433 : vector<8x1xi32>
    %lt3A_435 = arith.cmpi slt, %broadcast_in_dim3A_193, %broadcast_in_dim3A_171 : vector<8x1xi32>
    %convert_element_type3A_436 = arith.extui %lt3A_435 : vector<8x1xi1> to vector<8x1xi32>
    %add3A_437 = arith.addi %add3A_434, %convert_element_type3A_436 : vector<8x1xi32>
    %lt3A_438 = arith.cmpi slt, %broadcast_in_dim3A_215, %broadcast_in_dim3A_171 : vector<8x1xi32>
    %convert_element_type3A_439 = arith.extui %lt3A_438 : vector<8x1xi1> to vector<8x1xi32>
    %add3A_440 = arith.addi %add3A_437, %convert_element_type3A_439 : vector<8x1xi32>
    %lt3A_441 = arith.cmpi slt, %broadcast_in_dim3A_237, %broadcast_in_dim3A_171 : vector<8x1xi32>
    %convert_element_type3A_442 = arith.extui %lt3A_441 : vector<8x1xi1> to vector<8x1xi32>
    %add3A_443 = arith.addi %add3A_440, %convert_element_type3A_442 : vector<8x1xi32>
    %lt3A_444 = arith.cmpi slt, %broadcast_in_dim3A_259, %broadcast_in_dim3A_171 : vector<8x1xi32>
    %convert_element_type3A_445 = arith.extui %lt3A_444 : vector<8x1xi1> to vector<8x1xi32>
    %add3A_446 = arith.addi %add3A_443, %convert_element_type3A_445 : vector<8x1xi32>
    %lt3A_447 = arith.cmpi slt, %broadcast_in_dim3A_281, %broadcast_in_dim3A_171 : vector<8x1xi32>
    %convert_element_type3A_448 = arith.extui %lt3A_447 : vector<8x1xi1> to vector<8x1xi32>
    %add3A_449 = arith.addi %add3A_446, %convert_element_type3A_448 : vector<8x1xi32>
    %mul3A_450 = arith.constant 10 : i32
    %mul3A_451 = vector.broadcast %mul3A_450 : i32 to vector<8x1xi32>
    %mul3A_452 = arith.muli %broadcast_in_dim3A_171, %mul3A_451 : vector<8x1xi32>
    %add3A_453 = arith.addi %mul3A_452, %add3A_449 : vector<8x1xi32>
    %broadcast_in_dim3A_454 = arith.constant 0 : i32
    %broadcast_in_dim3A_455 = vector.broadcast %broadcast_in_dim3A_454 : i32 to vector<8x1xi32>
    %lt3A_456 = arith.cmpi slt, %broadcast_in_dim3A_83, %broadcast_in_dim3A_193 : vector<8x1xi32>
    %convert_element_type3A_457 = arith.extui %lt3A_456 : vector<8x1xi1> to vector<8x1xi32>
    %add3A_458 = arith.addi %broadcast_in_dim3A_455, %convert_element_type3A_457 : vector<8x1xi32>
    %lt3A_459 = arith.cmpi slt, %broadcast_in_dim3A_105, %broadcast_in_dim3A_193 : vector<8x1xi32>
    %convert_element_type3A_460 = arith.extui %lt3A_459 : vector<8x1xi1> to vector<8x1xi32>
    %add3A_461 = arith.addi %add3A_458, %convert_element_type3A_460 : vector<8x1xi32>
    %lt3A_462 = arith.cmpi slt, %broadcast_in_dim3A_127, %broadcast_in_dim3A_193 : vector<8x1xi32>
    %convert_element_type3A_463 = arith.extui %lt3A_462 : vector<8x1xi1> to vector<8x1xi32>
    %add3A_464 = arith.addi %add3A_461, %convert_element_type3A_463 : vector<8x1xi32>
    %lt3A_465 = arith.cmpi slt, %broadcast_in_dim3A_149, %broadcast_in_dim3A_193 : vector<8x1xi32>
    %convert_element_type3A_466 = arith.extui %lt3A_465 : vector<8x1xi1> to vector<8x1xi32>
    %add3A_467 = arith.addi %add3A_464, %convert_element_type3A_466 : vector<8x1xi32>
    %lt3A_468 = arith.cmpi slt, %broadcast_in_dim3A_171, %broadcast_in_dim3A_193 : vector<8x1xi32>
    %convert_element_type3A_469 = arith.extui %lt3A_468 : vector<8x1xi1> to vector<8x1xi32>
    %add3A_470 = arith.addi %add3A_467, %convert_element_type3A_469 : vector<8x1xi32>
    %lt3A_471 = arith.cmpi slt, %broadcast_in_dim3A_215, %broadcast_in_dim3A_193 : vector<8x1xi32>
    %convert_element_type3A_472 = arith.extui %lt3A_471 : vector<8x1xi1> to vector<8x1xi32>
    %add3A_473 = arith.addi %add3A_470, %convert_element_type3A_472 : vector<8x1xi32>
    %lt3A_474 = arith.cmpi slt, %broadcast_in_dim3A_237, %broadcast_in_dim3A_193 : vector<8x1xi32>
    %convert_element_type3A_475 = arith.extui %lt3A_474 : vector<8x1xi1> to vector<8x1xi32>
    %add3A_476 = arith.addi %add3A_473, %convert_element_type3A_475 : vector<8x1xi32>
    %lt3A_477 = arith.cmpi slt, %broadcast_in_dim3A_259, %broadcast_in_dim3A_193 : vector<8x1xi32>
    %convert_element_type3A_478 = arith.extui %lt3A_477 : vector<8x1xi1> to vector<8x1xi32>
    %add3A_479 = arith.addi %add3A_476, %convert_element_type3A_478 : vector<8x1xi32>
    %lt3A_480 = arith.cmpi slt, %broadcast_in_dim3A_281, %broadcast_in_dim3A_193 : vector<8x1xi32>
    %convert_element_type3A_481 = arith.extui %lt3A_480 : vector<8x1xi1> to vector<8x1xi32>
    %add3A_482 = arith.addi %add3A_479, %convert_element_type3A_481 : vector<8x1xi32>
    %mul3A_483 = arith.constant 10 : i32
    %mul3A_484 = vector.broadcast %mul3A_483 : i32 to vector<8x1xi32>
    %mul3A_485 = arith.muli %broadcast_in_dim3A_193, %mul3A_484 : vector<8x1xi32>
    %add3A_486 = arith.addi %mul3A_485, %add3A_482 : vector<8x1xi32>
    %broadcast_in_dim3A_487 = arith.constant 0 : i32
    %broadcast_in_dim3A_488 = vector.broadcast %broadcast_in_dim3A_487 : i32 to vector<8x1xi32>
    %lt3A_489 = arith.cmpi slt, %broadcast_in_dim3A_83, %broadcast_in_dim3A_215 : vector<8x1xi32>
    %convert_element_type3A_490 = arith.extui %lt3A_489 : vector<8x1xi1> to vector<8x1xi32>
    %add3A_491 = arith.addi %broadcast_in_dim3A_488, %convert_element_type3A_490 : vector<8x1xi32>
    %lt3A_492 = arith.cmpi slt, %broadcast_in_dim3A_105, %broadcast_in_dim3A_215 : vector<8x1xi32>
    %convert_element_type3A_493 = arith.extui %lt3A_492 : vector<8x1xi1> to vector<8x1xi32>
    %add3A_494 = arith.addi %add3A_491, %convert_element_type3A_493 : vector<8x1xi32>
    %lt3A_495 = arith.cmpi slt, %broadcast_in_dim3A_127, %broadcast_in_dim3A_215 : vector<8x1xi32>
    %convert_element_type3A_496 = arith.extui %lt3A_495 : vector<8x1xi1> to vector<8x1xi32>
    %add3A_497 = arith.addi %add3A_494, %convert_element_type3A_496 : vector<8x1xi32>
    %lt3A_498 = arith.cmpi slt, %broadcast_in_dim3A_149, %broadcast_in_dim3A_215 : vector<8x1xi32>
    %convert_element_type3A_499 = arith.extui %lt3A_498 : vector<8x1xi1> to vector<8x1xi32>
    %add3A_500 = arith.addi %add3A_497, %convert_element_type3A_499 : vector<8x1xi32>
    %lt3A_501 = arith.cmpi slt, %broadcast_in_dim3A_171, %broadcast_in_dim3A_215 : vector<8x1xi32>
    %convert_element_type3A_502 = arith.extui %lt3A_501 : vector<8x1xi1> to vector<8x1xi32>
    %add3A_503 = arith.addi %add3A_500, %convert_element_type3A_502 : vector<8x1xi32>
    %lt3A_504 = arith.cmpi slt, %broadcast_in_dim3A_193, %broadcast_in_dim3A_215 : vector<8x1xi32>
    %convert_element_type3A_505 = arith.extui %lt3A_504 : vector<8x1xi1> to vector<8x1xi32>
    %add3A_506 = arith.addi %add3A_503, %convert_element_type3A_505 : vector<8x1xi32>
    %lt3A_507 = arith.cmpi slt, %broadcast_in_dim3A_237, %broadcast_in_dim3A_215 : vector<8x1xi32>
    %convert_element_type3A_508 = arith.extui %lt3A_507 : vector<8x1xi1> to vector<8x1xi32>
    %add3A_509 = arith.addi %add3A_506, %convert_element_type3A_508 : vector<8x1xi32>
    %lt3A_510 = arith.cmpi slt, %broadcast_in_dim3A_259, %broadcast_in_dim3A_215 : vector<8x1xi32>
    %convert_element_type3A_511 = arith.extui %lt3A_510 : vector<8x1xi1> to vector<8x1xi32>
    %add3A_512 = arith.addi %add3A_509, %convert_element_type3A_511 : vector<8x1xi32>
    %lt3A_513 = arith.cmpi slt, %broadcast_in_dim3A_281, %broadcast_in_dim3A_215 : vector<8x1xi32>
    %convert_element_type3A_514 = arith.extui %lt3A_513 : vector<8x1xi1> to vector<8x1xi32>
    %add3A_515 = arith.addi %add3A_512, %convert_element_type3A_514 : vector<8x1xi32>
    %mul3A_516 = arith.constant 10 : i32
    %mul3A_517 = vector.broadcast %mul3A_516 : i32 to vector<8x1xi32>
    %mul3A_518 = arith.muli %broadcast_in_dim3A_215, %mul3A_517 : vector<8x1xi32>
    %add3A_519 = arith.addi %mul3A_518, %add3A_515 : vector<8x1xi32>
    %broadcast_in_dim3A_520 = arith.constant 0 : i32
    %broadcast_in_dim3A_521 = vector.broadcast %broadcast_in_dim3A_520 : i32 to vector<8x1xi32>
    %lt3A_522 = arith.cmpi slt, %broadcast_in_dim3A_83, %broadcast_in_dim3A_237 : vector<8x1xi32>
    %convert_element_type3A_523 = arith.extui %lt3A_522 : vector<8x1xi1> to vector<8x1xi32>
    %add3A_524 = arith.addi %broadcast_in_dim3A_521, %convert_element_type3A_523 : vector<8x1xi32>
    %lt3A_525 = arith.cmpi slt, %broadcast_in_dim3A_105, %broadcast_in_dim3A_237 : vector<8x1xi32>
    %convert_element_type3A_526 = arith.extui %lt3A_525 : vector<8x1xi1> to vector<8x1xi32>
    %add3A_527 = arith.addi %add3A_524, %convert_element_type3A_526 : vector<8x1xi32>
    %lt3A_528 = arith.cmpi slt, %broadcast_in_dim3A_127, %broadcast_in_dim3A_237 : vector<8x1xi32>
    %convert_element_type3A_529 = arith.extui %lt3A_528 : vector<8x1xi1> to vector<8x1xi32>
    %add3A_530 = arith.addi %add3A_527, %convert_element_type3A_529 : vector<8x1xi32>
    %lt3A_531 = arith.cmpi slt, %broadcast_in_dim3A_149, %broadcast_in_dim3A_237 : vector<8x1xi32>
    %convert_element_type3A_532 = arith.extui %lt3A_531 : vector<8x1xi1> to vector<8x1xi32>
    %add3A_533 = arith.addi %add3A_530, %convert_element_type3A_532 : vector<8x1xi32>
    %lt3A_534 = arith.cmpi slt, %broadcast_in_dim3A_171, %broadcast_in_dim3A_237 : vector<8x1xi32>
    %convert_element_type3A_535 = arith.extui %lt3A_534 : vector<8x1xi1> to vector<8x1xi32>
    %add3A_536 = arith.addi %add3A_533, %convert_element_type3A_535 : vector<8x1xi32>
    %lt3A_537 = arith.cmpi slt, %broadcast_in_dim3A_193, %broadcast_in_dim3A_237 : vector<8x1xi32>
    %convert_element_type3A_538 = arith.extui %lt3A_537 : vector<8x1xi1> to vector<8x1xi32>
    %add3A_539 = arith.addi %add3A_536, %convert_element_type3A_538 : vector<8x1xi32>
    %lt3A_540 = arith.cmpi slt, %broadcast_in_dim3A_215, %broadcast_in_dim3A_237 : vector<8x1xi32>
    %convert_element_type3A_541 = arith.extui %lt3A_540 : vector<8x1xi1> to vector<8x1xi32>
    %add3A_542 = arith.addi %add3A_539, %convert_element_type3A_541 : vector<8x1xi32>
    %lt3A_543 = arith.cmpi slt, %broadcast_in_dim3A_259, %broadcast_in_dim3A_237 : vector<8x1xi32>
    %convert_element_type3A_544 = arith.extui %lt3A_543 : vector<8x1xi1> to vector<8x1xi32>
    %add3A_545 = arith.addi %add3A_542, %convert_element_type3A_544 : vector<8x1xi32>
    %lt3A_546 = arith.cmpi slt, %broadcast_in_dim3A_281, %broadcast_in_dim3A_237 : vector<8x1xi32>
    %convert_element_type3A_547 = arith.extui %lt3A_546 : vector<8x1xi1> to vector<8x1xi32>
    %add3A_548 = arith.addi %add3A_545, %convert_element_type3A_547 : vector<8x1xi32>
    %mul3A_549 = arith.constant 10 : i32
    %mul3A_550 = vector.broadcast %mul3A_549 : i32 to vector<8x1xi32>
    %mul3A_551 = arith.muli %broadcast_in_dim3A_237, %mul3A_550 : vector<8x1xi32>
    %add3A_552 = arith.addi %mul3A_551, %add3A_548 : vector<8x1xi32>
    %broadcast_in_dim3A_553 = arith.constant 0 : i32
    %broadcast_in_dim3A_554 = vector.broadcast %broadcast_in_dim3A_553 : i32 to vector<8x1xi32>
    %lt3A_555 = arith.cmpi slt, %broadcast_in_dim3A_83, %broadcast_in_dim3A_259 : vector<8x1xi32>
    %convert_element_type3A_556 = arith.extui %lt3A_555 : vector<8x1xi1> to vector<8x1xi32>
    %add3A_557 = arith.addi %broadcast_in_dim3A_554, %convert_element_type3A_556 : vector<8x1xi32>
    %lt3A_558 = arith.cmpi slt, %broadcast_in_dim3A_105, %broadcast_in_dim3A_259 : vector<8x1xi32>
    %convert_element_type3A_559 = arith.extui %lt3A_558 : vector<8x1xi1> to vector<8x1xi32>
    %add3A_560 = arith.addi %add3A_557, %convert_element_type3A_559 : vector<8x1xi32>
    %lt3A_561 = arith.cmpi slt, %broadcast_in_dim3A_127, %broadcast_in_dim3A_259 : vector<8x1xi32>
    %convert_element_type3A_562 = arith.extui %lt3A_561 : vector<8x1xi1> to vector<8x1xi32>
    %add3A_563 = arith.addi %add3A_560, %convert_element_type3A_562 : vector<8x1xi32>
    %lt3A_564 = arith.cmpi slt, %broadcast_in_dim3A_149, %broadcast_in_dim3A_259 : vector<8x1xi32>
    %convert_element_type3A_565 = arith.extui %lt3A_564 : vector<8x1xi1> to vector<8x1xi32>
    %add3A_566 = arith.addi %add3A_563, %convert_element_type3A_565 : vector<8x1xi32>
    %lt3A_567 = arith.cmpi slt, %broadcast_in_dim3A_171, %broadcast_in_dim3A_259 : vector<8x1xi32>
    %convert_element_type3A_568 = arith.extui %lt3A_567 : vector<8x1xi1> to vector<8x1xi32>
    %add3A_569 = arith.addi %add3A_566, %convert_element_type3A_568 : vector<8x1xi32>
    %lt3A_570 = arith.cmpi slt, %broadcast_in_dim3A_193, %broadcast_in_dim3A_259 : vector<8x1xi32>
    %convert_element_type3A_571 = arith.extui %lt3A_570 : vector<8x1xi1> to vector<8x1xi32>
    %add3A_572 = arith.addi %add3A_569, %convert_element_type3A_571 : vector<8x1xi32>
    %lt3A_573 = arith.cmpi slt, %broadcast_in_dim3A_215, %broadcast_in_dim3A_259 : vector<8x1xi32>
    %convert_element_type3A_574 = arith.extui %lt3A_573 : vector<8x1xi1> to vector<8x1xi32>
    %add3A_575 = arith.addi %add3A_572, %convert_element_type3A_574 : vector<8x1xi32>
    %lt3A_576 = arith.cmpi slt, %broadcast_in_dim3A_237, %broadcast_in_dim3A_259 : vector<8x1xi32>
    %convert_element_type3A_577 = arith.extui %lt3A_576 : vector<8x1xi1> to vector<8x1xi32>
    %add3A_578 = arith.addi %add3A_575, %convert_element_type3A_577 : vector<8x1xi32>
    %lt3A_579 = arith.cmpi slt, %broadcast_in_dim3A_281, %broadcast_in_dim3A_259 : vector<8x1xi32>
    %convert_element_type3A_580 = arith.extui %lt3A_579 : vector<8x1xi1> to vector<8x1xi32>
    %add3A_581 = arith.addi %add3A_578, %convert_element_type3A_580 : vector<8x1xi32>
    %mul3A_582 = arith.constant 10 : i32
    %mul3A_583 = vector.broadcast %mul3A_582 : i32 to vector<8x1xi32>
    %mul3A_584 = arith.muli %broadcast_in_dim3A_259, %mul3A_583 : vector<8x1xi32>
    %add3A_585 = arith.addi %mul3A_584, %add3A_581 : vector<8x1xi32>
    %broadcast_in_dim3A_586 = arith.constant 0 : i32
    %broadcast_in_dim3A_587 = vector.broadcast %broadcast_in_dim3A_586 : i32 to vector<8x1xi32>
    %lt3A_588 = arith.cmpi slt, %broadcast_in_dim3A_83, %broadcast_in_dim3A_281 : vector<8x1xi32>
    %convert_element_type3A_589 = arith.extui %lt3A_588 : vector<8x1xi1> to vector<8x1xi32>
    %add3A_590 = arith.addi %broadcast_in_dim3A_587, %convert_element_type3A_589 : vector<8x1xi32>
    %lt3A_591 = arith.cmpi slt, %broadcast_in_dim3A_105, %broadcast_in_dim3A_281 : vector<8x1xi32>
    %convert_element_type3A_592 = arith.extui %lt3A_591 : vector<8x1xi1> to vector<8x1xi32>
    %add3A_593 = arith.addi %add3A_590, %convert_element_type3A_592 : vector<8x1xi32>
    %lt3A_594 = arith.cmpi slt, %broadcast_in_dim3A_127, %broadcast_in_dim3A_281 : vector<8x1xi32>
    %convert_element_type3A_595 = arith.extui %lt3A_594 : vector<8x1xi1> to vector<8x1xi32>
    %add3A_596 = arith.addi %add3A_593, %convert_element_type3A_595 : vector<8x1xi32>
    %lt3A_597 = arith.cmpi slt, %broadcast_in_dim3A_149, %broadcast_in_dim3A_281 : vector<8x1xi32>
    %convert_element_type3A_598 = arith.extui %lt3A_597 : vector<8x1xi1> to vector<8x1xi32>
    %add3A_599 = arith.addi %add3A_596, %convert_element_type3A_598 : vector<8x1xi32>
    %lt3A_600 = arith.cmpi slt, %broadcast_in_dim3A_171, %broadcast_in_dim3A_281 : vector<8x1xi32>
    %convert_element_type3A_601 = arith.extui %lt3A_600 : vector<8x1xi1> to vector<8x1xi32>
    %add3A_602 = arith.addi %add3A_599, %convert_element_type3A_601 : vector<8x1xi32>
    %lt3A_603 = arith.cmpi slt, %broadcast_in_dim3A_193, %broadcast_in_dim3A_281 : vector<8x1xi32>
    %convert_element_type3A_604 = arith.extui %lt3A_603 : vector<8x1xi1> to vector<8x1xi32>
    %add3A_605 = arith.addi %add3A_602, %convert_element_type3A_604 : vector<8x1xi32>
    %lt3A_606 = arith.cmpi slt, %broadcast_in_dim3A_215, %broadcast_in_dim3A_281 : vector<8x1xi32>
    %convert_element_type3A_607 = arith.extui %lt3A_606 : vector<8x1xi1> to vector<8x1xi32>
    %add3A_608 = arith.addi %add3A_605, %convert_element_type3A_607 : vector<8x1xi32>
    %lt3A_609 = arith.cmpi slt, %broadcast_in_dim3A_237, %broadcast_in_dim3A_281 : vector<8x1xi32>
    %convert_element_type3A_610 = arith.extui %lt3A_609 : vector<8x1xi1> to vector<8x1xi32>
    %add3A_611 = arith.addi %add3A_608, %convert_element_type3A_610 : vector<8x1xi32>
    %lt3A_612 = arith.cmpi slt, %broadcast_in_dim3A_259, %broadcast_in_dim3A_281 : vector<8x1xi32>
    %convert_element_type3A_613 = arith.extui %lt3A_612 : vector<8x1xi1> to vector<8x1xi32>
    %add3A_614 = arith.addi %add3A_611, %convert_element_type3A_613 : vector<8x1xi32>
    %mul3A_615 = arith.constant 10 : i32
    %mul3A_616 = vector.broadcast %mul3A_615 : i32 to vector<8x1xi32>
    %mul3A_617 = arith.muli %broadcast_in_dim3A_281, %mul3A_616 : vector<8x1xi32>
    %add3A_618 = arith.addi %mul3A_617, %add3A_614 : vector<8x1xi32>
    %concatenate3A = tpu.concatenate %add3A_321, %add3A_354, %add3A_387, %add3A_420, %add3A_453, %add3A_486, %add3A_519, %add3A_552, %add3A_585, %add3A_618, %add3A_618, %add3A_618, %add3A_618, %add3A_618, %add3A_618, %add3A_618 in 1 : vector<8x1xi32>, vector<8x1xi32>, vector<8x1xi32>, vector<8x1xi32>, vector<8x1xi32>, vector<8x1xi32>, vector<8x1xi32>, vector<8x1xi32>, vector<8x1xi32>, vector<8x1xi32>, vector<8x1xi32>, vector<8x1xi32>, vector<8x1xi32>, vector<8x1xi32>, vector<8x1xi32>, vector<8x1xi32> -> vector<8x16xi32>
    %swap3A_619 = arith.constant 0 : index
    %swap3A_620 = arith.constant 0 : index
    %swap3A_621 = vector.load %arg2[%swap3A_619, %swap3A_620] : memref<8x16xi32, #tpu.memory_space<vmem>>, vector<8x16xi32>
    tpu.vector_store %arg2[%swap3A_619, %swap3A_620], %concatenate3A {strides = array<i32>} : memref<8x16xi32, #tpu.memory_space<vmem>>, vector<8x16xi32>,
    %dma_wait3A = arith.constant 0 : i32
    %dma_wait3A_622 = arith.constant 0 : i32
    %dma_wait3A_623 = arith.constant 0 : i32
    %dma_wait3A_624 = tpu.memref_slice %arg3[%add3A_3, %dma_wait3A, %dma_wait3A_622, %dma_wait3A_623] : memref<128x320x8x128xf32, #tpu.memory_space<any>> -> memref<1x320x8x128xf32, #tpu.memory_space<any>>
    %dma_wait3A_625 = tpu.memref_squeeze %dma_wait3A_624 : memref<1x320x8x128xf32, #tpu.memory_space<any>> -> memref<320x8x128xf32, #tpu.memory_space<any>>
    tpu.wait_dma2 semaphore(%arg6 : memref<!tpu.dma_semaphore, #tpu.memory_space<semaphore_mem>>) src(%arg4 : memref<320x8x128xf32, #tpu.memory_space<vmem>>) dst(%dma_wait3A_625 : memref<320x8x128xf32, #tpu.memory_space<any>>)
    %dma_wait3A_626 = arith.constant 0 : i32
    %dma_wait3A_627 = arith.constant 0 : i32
    %dma_wait3A_628 = arith.constant 0 : i32
    %dma_wait3A_629 = tpu.memref_slice %arg3[%add3A_7, %dma_wait3A_626, %dma_wait3A_627, %dma_wait3A_628] : memref<128x320x8x128xf32, #tpu.memory_space<any>> -> memref<1x320x8x128xf32, #tpu.memory_space<any>>
    %dma_wait3A_630 = tpu.memref_squeeze %dma_wait3A_629 : memref<1x320x8x128xf32, #tpu.memory_space<any>> -> memref<320x8x128xf32, #tpu.memory_space<any>>
    tpu.wait_dma2 semaphore(%arg6 : memref<!tpu.dma_semaphore, #tpu.memory_space<semaphore_mem>>) src(%arg4 : memref<320x8x128xf32, #tpu.memory_space<vmem>>) dst(%dma_wait3A_630 : memref<320x8x128xf32, #tpu.memory_space<any>>)
    %dma_wait3A_631 = arith.constant 0 : i32
    %dma_wait3A_632 = arith.constant 0 : i32
    %dma_wait3A_633 = arith.constant 0 : i32
    %dma_wait3A_634 = tpu.memref_slice %arg3[%add3A_11, %dma_wait3A_631, %dma_wait3A_632, %dma_wait3A_633] : memref<128x320x8x128xf32, #tpu.memory_space<any>> -> memref<1x320x8x128xf32, #tpu.memory_space<any>>
    %dma_wait3A_635 = tpu.memref_squeeze %dma_wait3A_634 : memref<1x320x8x128xf32, #tpu.memory_space<any>> -> memref<320x8x128xf32, #tpu.memory_space<any>>
    tpu.wait_dma2 semaphore(%arg6 : memref<!tpu.dma_semaphore, #tpu.memory_space<semaphore_mem>>) src(%arg4 : memref<320x8x128xf32, #tpu.memory_space<vmem>>) dst(%dma_wait3A_635 : memref<320x8x128xf32, #tpu.memory_space<any>>)
    %dma_wait3A_636 = arith.constant 0 : i32
    %dma_wait3A_637 = arith.constant 0 : i32
    %dma_wait3A_638 = arith.constant 0 : i32
    %dma_wait3A_639 = tpu.memref_slice %arg3[%add3A_15, %dma_wait3A_636, %dma_wait3A_637, %dma_wait3A_638] : memref<128x320x8x128xf32, #tpu.memory_space<any>> -> memref<1x320x8x128xf32, #tpu.memory_space<any>>
    %dma_wait3A_640 = tpu.memref_squeeze %dma_wait3A_639 : memref<1x320x8x128xf32, #tpu.memory_space<any>> -> memref<320x8x128xf32, #tpu.memory_space<any>>
    tpu.wait_dma2 semaphore(%arg6 : memref<!tpu.dma_semaphore, #tpu.memory_space<semaphore_mem>>) src(%arg4 : memref<320x8x128xf32, #tpu.memory_space<vmem>>) dst(%dma_wait3A_640 : memref<320x8x128xf32, #tpu.memory_space<any>>)
    %dma_wait3A_641 = arith.constant 0 : i32
    %dma_wait3A_642 = arith.constant 0 : i32
    %dma_wait3A_643 = arith.constant 0 : i32
    %dma_wait3A_644 = tpu.memref_slice %arg3[%add3A_19, %dma_wait3A_641, %dma_wait3A_642, %dma_wait3A_643] : memref<128x320x8x128xf32, #tpu.memory_space<any>> -> memref<1x320x8x128xf32, #tpu.memory_space<any>>
    %dma_wait3A_645 = tpu.memref_squeeze %dma_wait3A_644 : memref<1x320x8x128xf32, #tpu.memory_space<any>> -> memref<320x8x128xf32, #tpu.memory_space<any>>
    tpu.wait_dma2 semaphore(%arg6 : memref<!tpu.dma_semaphore, #tpu.memory_space<semaphore_mem>>) src(%arg4 : memref<320x8x128xf32, #tpu.memory_space<vmem>>) dst(%dma_wait3A_645 : memref<320x8x128xf32, #tpu.memory_space<any>>)
    %dma_wait3A_646 = arith.constant 0 : i32
    %dma_wait3A_647 = arith.constant 0 : i32
    %dma_wait3A_648 = arith.constant 0 : i32
    %dma_wait3A_649 = tpu.memref_slice %arg3[%add3A_23, %dma_wait3A_646, %dma_wait3A_647, %dma_wait3A_648] : memref<128x320x8x128xf32, #tpu.memory_space<any>> -> memref<1x320x8x128xf32, #tpu.memory_space<any>>
    %dma_wait3A_650 = tpu.memref_squeeze %dma_wait3A_649 : memref<1x320x8x128xf32, #tpu.memory_space<any>> -> memref<320x8x128xf32, #tpu.memory_space<any>>
    tpu.wait_dma2 semaphore(%arg6 : memref<!tpu.dma_semaphore, #tpu.memory_space<semaphore_mem>>) src(%arg4 : memref<320x8x128xf32, #tpu.memory_space<vmem>>) dst(%dma_wait3A_650 : memref<320x8x128xf32, #tpu.memory_space<any>>)
    %dma_wait3A_651 = arith.constant 0 : i32
    %dma_wait3A_652 = arith.constant 0 : i32
    %dma_wait3A_653 = arith.constant 0 : i32
    %dma_wait3A_654 = tpu.memref_slice %arg3[%add3A_27, %dma_wait3A_651, %dma_wait3A_652, %dma_wait3A_653] : memref<128x320x8x128xf32, #tpu.memory_space<any>> -> memref<1x320x8x128xf32, #tpu.memory_space<any>>
    %dma_wait3A_655 = tpu.memref_squeeze %dma_wait3A_654 : memref<1x320x8x128xf32, #tpu.memory_space<any>> -> memref<320x8x128xf32, #tpu.memory_space<any>>
    tpu.wait_dma2 semaphore(%arg6 : memref<!tpu.dma_semaphore, #tpu.memory_space<semaphore_mem>>) src(%arg4 : memref<320x8x128xf32, #tpu.memory_space<vmem>>) dst(%dma_wait3A_655 : memref<320x8x128xf32, #tpu.memory_space<any>>)
    %dma_wait3A_656 = arith.constant 0 : i32
    %dma_wait3A_657 = arith.constant 0 : i32
    %dma_wait3A_658 = arith.constant 0 : i32
    %dma_wait3A_659 = tpu.memref_slice %arg3[%add3A_31, %dma_wait3A_656, %dma_wait3A_657, %dma_wait3A_658] : memref<128x320x8x128xf32, #tpu.memory_space<any>> -> memref<1x320x8x128xf32, #tpu.memory_space<any>>
    %dma_wait3A_660 = tpu.memref_squeeze %dma_wait3A_659 : memref<1x320x8x128xf32, #tpu.memory_space<any>> -> memref<320x8x128xf32, #tpu.memory_space<any>>
    tpu.wait_dma2 semaphore(%arg6 : memref<!tpu.dma_semaphore, #tpu.memory_space<semaphore_mem>>) src(%arg4 : memref<320x8x128xf32, #tpu.memory_space<vmem>>) dst(%dma_wait3A_660 : memref<320x8x128xf32, #tpu.memory_space<any>>)
    return
  }
  func.func @transform_0(%arg0: i32) -> (i32, i32) {
    %c0_i32 = arith.constant 0 : i32
    %c0_i32_0 = arith.constant 0 : i32
    return %arg0, %c0_i32 : i32, i32
  }
  func.func @transform_1(%arg0: i32) -> (i32, i32) {
    %c0_i32 = arith.constant 0 : i32
    %c0_i32_0 = arith.constant 0 : i32
    return %arg0, %c0_i32 : i32, i32
  }
}

</mosaic_0001>

<sc_bundles>
// kernel: sparse-core-data-format-call.cloned.1.call-start
scs
called_computation_lowered:
.L_overlay_start_0:
0x0: {  	s2 =	sld [smem:$0x3FD9]  }
0x1: {  	s3 =	sld [smem:$0x3FFE];
	_ =	sdelay $0x1  }
0x2: {  	s1 =	srdreg.scid  }
0x3: {  	s0 =	sand.u32 $0x1, s1  }
0x4: {  	s18 =	sshll.u32 s0, $0xA;
	s2 =	sadd.s32 s3, s2  }
0x5: {  	s2 =	sadd.s32 s2, s18  }
0x6: {  	[smem:$0x3FC7] =	sst s2  }
0x7: {  	_ = 	snop  }
0x8: {  	s2 =	sld [smem:$0x3FD0];
	(tm) =	ssettm $0x1  }
0x9: {  	s19 =	sld [smem:$0x3FFB];
	_ =	sdelay $0x3  }
0xa: {  	_ =	strace s19  }
0xb: {  	s3 =	sld [smem:$0x3FFC];
	_ =	sdelay $0x3  }
0xc: {  	_ =	strace s3  }
0xd: {  	s3 =	sld [smem:$0x3FFD];
	_ =	sdelay $0x3  }
0xe: {  	_ =	strace s3  }
0xf: {  	_ =	strace $0x8FFFFFFF  }
0x10: {  	s20 =	sld [smem:$0x3FDB];
	_ =	sdelay $0x1  }
0x11: {  	s4 =	simm.s32 $_scs_section_size  }
0x12: {  	s5 =	simm.s32 $_size__tile_overlayer_lowered;
	s6 =	simm.s32 $_tile_overlayer_lowered  }
0x13: {  	s23 =	simm.s32 $0x1BFF;
	s22 =	sshll.u32 s6, $0x1;
	s3 =	sadd.s32 s4, s20  }
0x14: {  	s7 =	simm.s32 $0x0;
	s21 =	sshll.u32 s5, $0x1;
	s5 =	sadd.s32 s22, s3  }
0x15: {  	[timem:s7], [sflag:s23] =	dma.local [hbm:s5], s21  }
0x16: {  	_ =	swait.ge [sflag:s23], s21  }
0x17: {  	s4 =	ssub.s32 $0x0, s21;
	[sflag:s23] =	ssyncset.done $0x0  }
0x18: {  	[sflag:s23] =	ssyncadd.s32 s4;
	_ =	sdelay $0x1  }
0x19: {  	s24 =	simm.s32 $0x1B8B  }
0x1a: {  	_ =	swait.ge [sflag:s24], $0x1  }
0x1b: {  	[sflag:s24] =	ssyncset.done $0x0  }
0x1c: {  	s26 =	simm.s32 $0x1B8E;
	s25 =	sld [smem:$0x3FFE];
	[sflag:s24] =	ssyncadd.s32 $0xFFFFFFFF  }
0x1d: {  	s27 =	simm.s32 $execute0_lowered;
	[smem:$0x3FD2] =	sst s26  }
0x1e: {  	s5 =	sshll.u32 s27, $0x1;
	_ =	strace $0x80000046;
	[dreg:$0x1] =	wrdreg $0xFFFFFFFF  }
0x1f: {  	s28 =	simm.s32 $_size_execute0_lowered;
	s3 =	sadd.s32 s3, s5;
	[dreg:$0x0] =	wrdreg $0x0  }
0x20: {  	s5 =	sshll.u32 s28, $0x1;
	[dreg:$0x2] =	wrdreg s3  }
0x21: {  	[dreg:$0x3] =	wrdreg s5  }
0x22: {  	[dreg:$0x4] =	wrdreg $0xC0  }
0x23: {  	_ =	task [dreg:s7], $0x5FFFF  }
0x24: {  	[dreg:$0x1] =	wrdreg $0xFFFFFFFF  }
0x25: {  	[dreg:$0x0] =	wrdreg $0x60  }
0x26: {  	[dreg:$0x2] =	wrdreg s25  }
0x27: {  	[dreg:$0x3] =	wrdreg s2  }
0x28: {  	[dreg:$0x4] =	wrdreg $0x9  }
0x29: {  	_ =	task.clear_ibuf [dreg:s7], $0x5FFFF;
	_ =	strace $0x90000046  }
0x2a: {  	s29 =	simm.s32 $0x9;
	_ =	strace $0x80000048  }
0x2b: {  	_ =	swait.ge [sflag:s29], $0x1  }
0x2c: {  	[sflag:s29] =	ssyncadd.s32 $0xFFFFFFFF  }
0x2d: {  	_ =	strace $0x90000048  }
0x2e: {  	_ =	sfence  }
0x2f: {  	s30 =	sld [smem:$0x0];
	_ =	sdelay $0x2  }
0x30: {  	s31 =	sshll.u32 s1, $0xD;
	s1 =	sshrl.u32 s1, $0x2  }
0x31: {  	s3 =	sand.u32 $0x4000, s31;
	s1 =	sadd.s32 s1, s30  }
0x32: {  	s0 =	sor.u32 s3, s0;
	s1 =	sshll.u32 s1, $0x11  }
0x33: {  	s0 =	sor.u32 s1, s0  }
0x34: {  	s0 =	sadd.s32 $0x8F2B, s0  }
0x35: {  	[sflag:s0] =	ssyncadd.remote.s32 $0x1  }
0x36: {  	_ =	sfence.sel $0xFFFF  }
0x37: {  	[dreg:$0x0] =	wrdreg $0xFFFFFFFF;
	(pc) =	sbr.abs _section_cstart, $3  }
0x38: {  	[dreg:$0x1] =	wrdreg $0xFFFFFFFF  }
0x39: {  	_ =	task.clear_ibuf [dreg:s7], $0x2FFFF;
	_ =	strace $0x9FFFFFFF  }
0x3a: {  	(tm) =	ssettm $0x7FFFFFFF  }
0x3b: {  	_ =	shalt  }
tec
execute0_lowered:
.L_overlay_start_1:
0x0: {  	(tag) =	ssettag $0x1  }
0x1: {  	s0 =	srdreg.scid  }
0x2: {  	s1 =	sshll.u32 s0, $0x4  }
0x3: {  	s0 =	stileid.u32;
	s1 =	sand.u32 $0x10, s1  }
0x4: {  	s1 =	sor.u32 s0, s1  }
0x5: {  	s6 =	rddreg [dreg:$0x0];
	s4 =	simm.s32 $0x1;
	s2 =	sshll.u32 s1, $0x7  }
0x6: {  	s7 =	simm.s32 $0x2;
	s12 =	simm.s32 $0x0;
	s1 =	ssub.s32 $0x8000, s2  }
0x7: {  	s8 =	simm.s32 $0x40000;
	s13 =	simm.s32 $0x0;
	s3 =	sand.u32 $0xF80, s1  }
0x8: {  	s9 =	simm.s32 $0x0;
	s5 =	sshrl.u32 s1, $0xC;
	p0 =	sne.s32 s3, $0x0  }
.Ltmp0:
0x9: {  	s1 =	rddreg [dreg:$0x2];
	s4 =	simm.s32 @!p0 $0x0;
	(pc) =	sbr.rel .LBB1_1-.Ltmp0, $4  }
0xa: {  	s11 =	simm.s32 $0x0;
	s3 =	rddreg [dreg:$0x1];
	s5 =	sadd.s32 s4, s5  }
0xb: {  	_ =	strace $0x80000047;
	s4 =	simm.s32 $0x1;
	s5 =	smul.u32 $0xA, s5  }
0xc: {  	s6 =	sadd.s32 $0x500800, s6;
	s10 =	smov.u32 s2;
	[sflag:s4] =	ssyncpa.u1 $0x0  }
0xd: {  	p0 =	por $0x0, $0x0;
	[sflag:s7] =	ssyncpa.u1 $0x0;
	s7 =	sor.u32 $0x1, s5  }
.LBB1_4:
0xe: {  	v5 =	vld [tilespmem:s17+$0xFFFFFFD0];
	[tilespmem:s16+$0x2040 ss:$0x81] =	vst.msk $0xffff, v1  }
0xf: {  	v58 =	vld [tilespmem:s17+$0xFFFFFFE0];
	[tilespmem:s16+$0x2850 ss:$0x81] =	vst.msk $0xffff, v2  }
0x10: {  	s18 =	sshra.s32 s18, $0x2;
	v59 =	vld [tilespmem:s17+$0xFFFFFFF0];
	[tilespmem:s16+$0x3060 ss:$0x81] =	vst.msk $0xffff, v3  }
0x11: {  	v60 =	vld [tilespmem:s17+$0x0];
	[tilespmem:s16+$0x0 ss:$0x81] =	vst.msk $0xffff, v0;
	s15 =	sadd.s32 s18, s15  }
0x12: {  	v61 =	vld [tilespmem:s17+$0x10];
	[tilespmem:s15+$0x3870 ss:$0x81] =	vst.msk $0xffff, v4  }
0x13: {  	v62 =	vld [tilespmem:s17+$0x20];
	[tilespmem:s15+$0x810 ss:$0x81] =	vst.msk $0xffff, v5  }
0x14: {  	v63 =	vld [tilespmem:s17+$0xFFFFFFC0];
	[tilespmem:s15+$0x1020 ss:$0x81] =	vst.msk $0xffff, v58  }
0x15: {  	s28 =	sshll.u32 s13, $0x3;
	s29 =	sand.u32 $0x78, s13;
	[tilespmem:s15+$0x1830 ss:$0x81] =	vst.msk $0xffff, v59  }
0x16: {  	s30 =	sand.u32 $0x7F000, s13;
	s12 =	sshll.u32 s12, $0x13;
	s16 =	sand.u32 $0x7C00, s28;
	[tilespmem:s15+$0x2040 ss:$0x81] =	vst.msk $0xffff, v60  }
0x17: {  	s31 =	sand.u32 $0x7, s13;
	s17 =	sadd.s32 s3, s30;
	s16 =	sor.u32 s29, s16;
	[tilespmem:s15+$0x2850 ss:$0x81] =	vst.msk $0xffff, v61  }
0x18: {  	s13 =	sshll.u32 s31, $0x12;
	s12 =	sadd.s32 s12, s17;
	s16 =	sshrl.u32 s16, $0x3;
	[tilespmem:s15+$0x3060 ss:$0x81] =	vst.msk $0xffff, v62  }
0x19: {  	s13 =	sor.u32 $0x400, s13;
	s12 =	sadd.s32 s16, s12;
	[tilespmem:s15+$0x0 ss:$0x81] =	vst.msk $0xffff, v63  }
0x1a: {  	[hbm4b:s12+s13] =	stream.strided.scatter [tilespmem:s14], [sflag:$0x2], $0x4000, s8, s13, $0x20;
	[tilespmem:$0x10100] =	vst v63  }
.LBB1_5:
0x1b: {  	s14 =	sadd.s32 $0x1, s9  }
0x1c: {  	s12 =	sadd.s32 $0x1000, s10;
	s16 =	smov.u32 s10;
	p2 =	sgt.s32 s14, $0x9  }
0x1d: {  	s16 =	smov.u32 @p2 s12  }
0x1e: {  	s14 =	simm.s32 @p2 $0x0;
	p2 =	sgt.s32 s16, $0x7FFF  }
0x1f: {  	s16 =	smov.u32 @p2 s2;
	p2 =	sne.s32 s11, s7  }
.Ltmp1:
0x20: {  	p1 =	slt.u32 s11, $0x2;
	(pc) =	sbr.rel @!p2 .LBB1_6-.Ltmp1, $4  }
0x21: {  	s15 =	simm.s32 @!p1 $0x2  }
0x22: {  	s13 =	smov.u32 s10;
	p0 =	por !p0, !p0;
	_ =	swait.ge @!p1 [sflag:s15], $0x4000  }
0x23: {  	s12 =	smov.u32 s9;
	[sflag:s15] =	ssyncset.done @!p1 $0x0;
	s9 =	smov.u32 s14  }
0x24: {  	s11 =	sadd.s32 $0x1, s11;
	[sflag:s15] =	ssyncadd.s32 @!p1 $0xFFFFC000;
	s10 =	smov.u32 s16  }
.LBB1_1:
0x25: {  	p1 =	sge.u32 s11, s5  }
0x26: {  	s31 =	sadd.s32 $0xFFFFFFFF, s11;
	s14 =	sxor.u32 @!p1 $0xFFFFFFFF, s11  }
0x27: {  	s15 =	sshll.u32 @!p1 s10, $0x8;
	s16 =	sshll.u32 @!p1 s9, $0x4;
	s17 =	simm.s32 @!p1 $0x800  }
0x28: {  	s14 =	sshll.u32 @!p1 s14, $0xE;
	s16 =	sand.u32 @!p1 $0xF0, s16;
	s15 =	sadd.s32 @!p1 s6, s15  }
0x29: {  	s14 =	sand.u32 @!p1 $0x4000, s14;
	s15 =	sadd.s32 @!p1 s16, s15;
	s16 =	simm.s32 @!p1 $0x80  }
0x2a: {  	[tilespmem:s14], [sflag:$0x1] =	stream.strided.gather @!p1 [hbm4b:s15+s16], $0x4000, s17, s16, $0x38;
	[tilespmem:$0x10100] =	vst v63  }
0x2b: {  	p1 =	sge.u32 s31, s5  }
.Ltmp2:
0x2c: {  	_ = 	snop;
	(pc) =	sbr.rel @p1 .LBB1_5-.Ltmp2, $1  }
0x2d: {  	_ =	sdelay $0x3  }
0x2e: {  	s14 =	simm.s32 $0x1  }
0x2f: {  	_ =	swait.ge [sflag:s4], $0x4000;
	s14 =	simm.s32 @!p0 $0x0  }
0x30: {  	[sflag:s4] =	ssyncset.done $0x0;
	s15 =	sshll.u32 s14, $0xE  }
0x31: {  	[sflag:s4] =	ssyncadd.s32 $0xFFFFC000;
	s17 =	sor.u32 $0x40, s15  }
0x32: {  	s14 =	smul.u32 $0x10200, s14;
	v0 =	vld [tilespmem:s17+$0x30]  }
0x33: {  	v3 =	vld [tilespmem:s17+$0xFFFFFFD0]  }
0x34: {  	s14 =	sshrl.u32 s14, $0x2;
	v4 =	vld [tilespmem:s17+$0xFFFFFFE0]  }
0x35: {  	v5 =	vld [tilespmem:s17+$0xFFFFFFF0];
	s15 =	sor.u32 $0x8000, s14  }
0x36: {  	s31 =	sand.u32 $0x1, s11;
	v1 =	vld [tilespmem:s17+$0x0];
	s16 =	sadd.s32 $0x0, s15  }
0x37: {  	v2 =	vld [tilespmem:s17+$0x10];
	s14 =	smul.u32 $0x10200, s31;
	[tilespmem:s16+$0x3870 ss:$0x81] =	vst.msk $0xffff, v0  }
0x38: {  	[tilespmem:s16+$0x810 ss:$0x81] =	vst.msk $0xffff, v3;
	v3 =	vld [tilespmem:s17+$0x20]  }
0x39: {  	s14 =	sshrl.u32 s14, $0x2;
	v0 =	vld [tilespmem:s17+$0xFFFFFFC0];
	[tilespmem:s16+$0x1020 ss:$0x81] =	vst.msk $0xffff, v4;
	s17 =	sadd.s32 $0x80, s17  }
0x3a: {  	s18 =	simm.s32 $0x4;
	s19 =	simm.s32 $0x8;
	s14 =	sor.u32 $0x8000, s14;
	[tilespmem:s16+$0x1830 ss:$0x81] =	vst.msk $0xffff, v5;
	v4 =	vld [tilespmem:s17+$0x30]  }
.LBB1_3:
0x3b: {  	p1 =	sne.s32 s19, $0x1FC;
	v5 =	vld [tilespmem:s17+$0xFFFFFFD0];
	[tilespmem:s16+$0x2040 ss:$0x81] =	vst.msk $0xffff, v1  }
0x3c: {  	v6 =	vld [tilespmem:s17+$0xFFFFFFE0];
	[tilespmem:s16+$0x2850 ss:$0x81] =	vst.msk $0xffff, v2  }
0x3d: {  	s20 =	sshra.s32 s18, $0x2;
	s18 =	smov.u32 s19;
	v7 =	vld [tilespmem:s17+$0xFFFFFFF0];
	[tilespmem:s16+$0x3060 ss:$0x81] =	vst.msk $0xffff, v3  }
.Ltmp3:
0x3e: {  	v1 =	vld [tilespmem:s17+$0x0];
	[tilespmem:s16+$0x0 ss:$0x81] =	vst.msk $0xffff, v0;
	s16 =	sadd.s32 s20, s15;
	(pc) =	sbr.rel @p1 .LBB1_3-.Ltmp3, $4  }
0x3f: {  	v2 =	vld [tilespmem:s17+$0x10];
	[tilespmem:s16+$0x3870 ss:$0x81] =	vst.msk $0xffff, v4  }
0x40: {  	[tilespmem:s16+$0x810 ss:$0x81] =	vst.msk $0xffff, v5;
	v3 =	vld [tilespmem:s17+$0x20]  }
0x41: {  	v0 =	vld [tilespmem:s17+$0xFFFFFFC0];
	[tilespmem:s16+$0x1020 ss:$0x81] =	vst.msk $0xffff, v6;
	s17 =	sadd.s32 $0x80, s17  }
0x42: {  	s19 =	sadd.s32 $0x4, s19;
	v4 =	vld [tilespmem:s17+$0x30];
	[tilespmem:s16+$0x1830 ss:$0x81] =	vst.msk $0xffff, v7  }
.Ltmp4:
0x43: {  	_ = 	snop;
	(pc) =	sbr.rel .LBB1_4-.Ltmp4, $1  }
0x44: {  	_ =	sdelay $0x3  }
.LBB1_6:
0x45: {  	_ =	sfence.sel $0x180000  }
0x46: {  	s2 =	simm.s32 $0x1;
	[bflag:$0x0] =	sbarrier.arrive $0xFFFF  }
0x47: {  	s31 =	simm.s32 $0x2;
	[sflag:s2] =	ssyncpa.u1 $0x1  }
0x48: {  	[sflag:s31] =	ssyncpa.u1 $0x1  }
0x49: {  	p0 =	sne.s32 s0, $0x0;
	_ =	strace $0x90000047  }
0x4a: {  	s0 =	sadd.s32 @!p0 $0x100000, s1;
	[bflag:$0x2] =	sbarrier.arrive $0xFFFF  }
0x4b: {  	[sflag:s0] =	ssyncadd.tile.s32 @!p0 $0x1;
	_ =	shalt  }
.Lfunc_end1:
_tile_overlayer_lowered:
.L_overlay_start_2:
0x4c: {  	(tag) =	ssettag $0x2  }
0x4d: {  	s0 =	rddreg [dreg:$0x0];
	s2 =	stileid.u32  }
0x4e: {  	s1 =	rddreg [dreg:$0x1];
	p0 =	sne.s32 s2, $0x0  }
0x4f: {  	s3 =	rddreg [dreg:$0x2];
	[bflag:$0x3] =	sbarrier.arrive $0xFFFF;
	s2 =	simm.s32 @!p0 $0x1C01  }
0x50: {  	[timem:s3], [sflag:s2] =	dma.local @!p0 [hbm:s0], s1  }
0x51: {  	s0 =	simm.s32 @!p0 $0x1  }
0x52: {  	_ =	swait.ge @!p0 [sflag:s0], s1  }
0x53: {  	s1 =	ssub.s32 @!p0 $0x0, s1;
	[sflag:s0] =	ssyncset.done @!p0 $0x0  }
0x54: {  	[sflag:s0] =	ssyncadd.s32 @!p0 s1  }
0x55: {  	[bflag:$0x3] =	sbarrier.arrive $0xFFFF  }
0x56: {  	_ =	shalt  }

</sc_bundles>
